<compile_context>
chip_gen: v7x
topology: tpu7x:2x2x1
jax: 0.10.2.dev20260603
libtpu: 0.0.44.dev20260713+nightly
codegen_flags: <defaults>
</compile_context>

<pallas_src>
import functools

import jax
import jax.numpy as jnp
from jax import lax
from jax.experimental import pallas as pl
from jax.experimental.pallas import tpu as pltpu
from jax.experimental.pallas import tpu_sc as plsc

BATCH = 16384
D = 64
NC = 2
NS = 16
L = 16
NW = NC * NS
BPW = BATCH // NW
CHUNK = 128
NCHUNK = BPW // CHUNK

_mesh = plsc.VectorSubcoreMesh(core_axis_name="c", subcore_axis_name="s")


@functools.partial(
    pl.kernel,
    mesh=_mesh,
    out_type=jax.ShapeDtypeStruct((BATCH, D), jnp.float32),
    scratch_types=[
        pltpu.VMEM((NCHUNK, CHUNK), jnp.int32),
        pltpu.VMEM((CHUNK, 2 * D), jnp.float32),
        pltpu.VMEM((CHUNK, 2 * D), jnp.float32),
        pltpu.VMEM((CHUNK, D), jnp.float32),
        pltpu.VMEM((CHUNK, D), jnp.float32),
        pltpu.VMEM((CHUNK, D), jnp.float32),
        pltpu.VMEM((CHUNK, D), jnp.float32),
        pltpu.SemaphoreType.DMA,
        pltpu.SemaphoreType.DMA,
        pltpu.SemaphoreType.DMA,
        pltpu.SemaphoreType.DMA,
        pltpu.SemaphoreType.DMA,
        pltpu.SemaphoreType.DMA,
    ],
)
def _film(x_hbm, idx_hbm, film_hbm, out_hbm,
          idx_v, rows0, rows1, xb0, xb1, ob0, ob1,
          gs0, gs1, xs0, xs1, os0, os1):
    rows = (rows0, rows1)
    xb = (xb0, xb1)
    ob = (ob0, ob1)
    gsem = (gs0, gs1)
    xsem = (xs0, xs1)
    osem = (os0, os1)

    wid = lax.axis_index("s") * NC + lax.axis_index("c")
    base = wid * BPW
    pltpu.sync_copy(idx_hbm.at[wid], idx_v)

    gathers = [None, None]
    xcopies = [None, None]
    ostores = [None, None]

    def start(c):
        b = c % 2
        gathers[b] = pltpu.async_copy(film_hbm.at[idx_v.at[c]], rows[b], gsem[b])
        xcopies[b] = pltpu.async_copy(
            x_hbm.at[pl.ds(base + c * CHUNK, CHUNK)], xb[b], xsem[b])

    start(0)
    for c in range(NCHUNK):
        b = c % 2
        if c + 1 < NCHUNK:
            nb = (c + 1) % 2
            start(c + 1)
        gathers[b].wait()
        xcopies[b].wait()
        if c >= 2:
            ostores[b].wait()

        @plsc.parallel_loop(0, CHUNK, unroll=8)
        def body(r):
            for j in range(D // L):
                sl = pl.ds(j * L, L)
                ob[b][r, sl] = rows[b][r, sl] * xb[b][r, sl] \
                    + rows[b][r, pl.ds(D + j * L, L)]

        ostores[b] = pltpu.async_copy(
            ob[b], out_hbm.at[pl.ds(base + c * CHUNK, CHUNK)], osem[b])

    ostores[(NCHUNK - 2) % 2].wait()
    ostores[(NCHUNK - 1) % 2].wait()


def kernel(x, cell_line, film):
    idx = cell_line.reshape(NW, NCHUNK, CHUNK)
    out = _film(x, idx, film)
    return (out, cell_line)

# --- scband reference (transcript-rebuilt; emitter-appended) ---
"""Pipeline reference for scband-film-module-17609365914189 (READ-ONLY COPY).

The authoritative reference and input builder live on the scoring server;
editing this copy changes nothing except your own understanding.
"""

import jax, jax.numpy as jnp
import numpy as np

NUM_CELL_LINES = 100000
OUT_DIM = 64
BATCH = 16384


def setup_inputs(seed: int = 0) -> dict:
    key = jax.random.key(seed)
    k1, k2, k3 = jax.random.split(key, 3)
    x = jax.random.normal(k1, (BATCH, OUT_DIM), dtype=jnp.float32)
    cell_line = jax.random.randint(k2, (BATCH,), 0, NUM_CELL_LINES, dtype=jnp.int64 if jax.config.jax_enable_x64 else jnp.int32)
    film_init = (1.0 / 100.0) * jax.random.normal(k3, (NUM_CELL_LINES, 2 * OUT_DIM), dtype=jnp.float32)
    bias = jnp.concatenate([jnp.ones((1, OUT_DIM), dtype=jnp.float32), jnp.zeros((1, OUT_DIM), dtype=jnp.float32)], axis=1)
    film = film_init + bias
    return {"x": x, "cell_line": cell_line, "film": film}


def reference(x, cell_line, film):
    # FiLM: gather per-row (gamma, beta) from the film table, apply affine transform
    g = jnp.take(film, cell_line, axis=0)  # [B, 2*D] gather (SparseCore embedding lookup)
    d = x.shape[1]
    gamma = g[:, :d]
    beta = g[:, d:]
    out = gamma * x + beta
    return (out, cell_line)

if __name__ == "__main__":
    import jax
    _d = setup_inputs()
    print(jax.jit(kernel)(*tuple(_d.values())))

</pallas_src>

<mosaic_0001>
#map = affine_map<(d0, d1) -> (0, 0)>
#map1 = affine_map<(d0, d1) -> (0, 0, 0)>
module attributes {stable_mosaic.version = 14 : i64} {
  func.func @_film(%arg0: i32, %arg1: i32, %arg2: memref<16384x64xf32, #tpu.memory_space<hbm>>, %arg3: memref<32x4x128xi32, #tpu.memory_space<hbm>>, %arg4: memref<100000x128xf32, #tpu.memory_space<hbm>>, %arg5: memref<16384x64xf32, #tpu.memory_space<hbm>>, %arg6: memref<4x128xi32, #tpu.memory_space<vmem>>, %arg7: memref<128x128xf32, #tpu.memory_space<vmem>>, %arg8: memref<128x128xf32, #tpu.memory_space<vmem>>, %arg9: memref<128x64xf32, #tpu.memory_space<vmem>>, %arg10: memref<128x64xf32, #tpu.memory_space<vmem>>, %arg11: memref<128x64xf32, #tpu.memory_space<vmem>>, %arg12: memref<128x64xf32, #tpu.memory_space<vmem>>, %arg13: memref<!tpu.dma_semaphore, #tpu.memory_space<semaphore_mem>>, %arg14: memref<!tpu.dma_semaphore, #tpu.memory_space<semaphore_mem>>, %arg15: memref<!tpu.dma_semaphore, #tpu.memory_space<semaphore_mem>>, %arg16: memref<!tpu.dma_semaphore, #tpu.memory_space<semaphore_mem>>, %arg17: memref<!tpu.dma_semaphore, #tpu.memory_space<semaphore_mem>>, %arg18: memref<!tpu.dma_semaphore, #tpu.memory_space<semaphore_mem>>) attributes {dimension_semantics = [#tpu.dimension_semantics<core_parallel>, #tpu.dimension_semantics<subcore_parallel>], iteration_bounds = array<i64: 2, 16>, scalar_prefetch = 0 : i64, scratch_operands = 13 : i64, tpu.core_type = #tpu.core_type<sc_vector_subcore>, window_params = [{transform_indices = #map}, {transform_indices = #map1}, {transform_indices = #map}, {transform_indices = #map}]} {
    %mul3A = arith.constant 2 : i32
    %mul3A_0 = arith.muli %arg1, %mul3A : i32
    %add3A = arith.addi %mul3A_0, %arg0 : i32
    %mul3A_1 = arith.constant 512 : i32
    %mul3A_2 = arith.muli %add3A, %mul3A_1 : i32
    "tpu.region"() ({
      %run_scoped3A = tpu.sem_alloc : memref<!tpu.dma_semaphore, #tpu.memory_space<semaphore_mem>>
      %dma_start3A_148 = arith.constant 0 : i32
      %dma_start3A_149 = arith.constant 0 : i32
      %dma_start3A_150 = tpu.memref_slice %arg3[%add3A, %dma_start3A_148, %dma_start3A_149] : memref<32x4x128xi32, #tpu.memory_space<hbm>> -> memref<1x4x128xi32, #tpu.memory_space<hbm>>
      %dma_start3A_151 = tpu.memref_squeeze %dma_start3A_150 : memref<1x4x128xi32, #tpu.memory_space<hbm>> -> memref<4x128xi32, #tpu.memory_space<hbm>>
      %dma_start3A_152 = arith.constant 0 : i32
      %dma_start3A_153 = arith.constant 0 : i32
      %dma_start3A_154 = tpu.memref_slice %arg3[%add3A, %dma_start3A_152, %dma_start3A_153] : memref<32x4x128xi32, #tpu.memory_space<hbm>> -> memref<1x4x128xi32, #tpu.memory_space<hbm>>
      %dma_start3A_155 = tpu.memref_squeeze %dma_start3A_154 : memref<1x4x128xi32, #tpu.memory_space<hbm>> -> memref<4x128xi32, #tpu.memory_space<hbm>>
      tpu.enqueue_dma source(%dma_start3A_155 : memref<4x128xi32, #tpu.memory_space<hbm>>) target(%arg6 : memref<4x128xi32, #tpu.memory_space<vmem>>) target_semaphore(%run_scoped3A : memref<!tpu.dma_semaphore, #tpu.memory_space<semaphore_mem>>)
      %dma_wait3A_156 = arith.constant 0 : i32
      %dma_wait3A_157 = arith.constant 0 : i32
      %dma_wait3A_158 = tpu.memref_slice %arg3[%add3A, %dma_wait3A_156, %dma_wait3A_157] : memref<32x4x128xi32, #tpu.memory_space<hbm>> -> memref<1x4x128xi32, #tpu.memory_space<hbm>>
      %dma_wait3A_159 = tpu.memref_squeeze %dma_wait3A_158 : memref<1x4x128xi32, #tpu.memory_space<hbm>> -> memref<4x128xi32, #tpu.memory_space<hbm>>
      %dma_wait3A_160 = arith.constant 0 : i32
      %dma_wait3A_161 = arith.constant 0 : i32
      %dma_wait3A_162 = tpu.memref_slice %arg3[%add3A, %dma_wait3A_160, %dma_wait3A_161] : memref<32x4x128xi32, #tpu.memory_space<hbm>> -> memref<1x4x128xi32, #tpu.memory_space<hbm>>
      %dma_wait3A_163 = tpu.memref_squeeze %dma_wait3A_162 : memref<1x4x128xi32, #tpu.memory_space<hbm>> -> memref<4x128xi32, #tpu.memory_space<hbm>>
      tpu.wait_dma2 semaphore(%run_scoped3A : memref<!tpu.dma_semaphore, #tpu.memory_space<semaphore_mem>>) src(%dma_wait3A_163 : memref<4x128xi32, #tpu.memory_space<hbm>>) dst(%arg6 : memref<4x128xi32, #tpu.memory_space<vmem>>)
      tpu.yield
    }) : () -> ()
    %dma_start3A = arith.constant 0 : i32
    %dma_start3A_3 = arith.constant 0 : i32
    %dma_start3A_4 = tpu.memref_slice %arg6[%dma_start3A, %dma_start3A_3] : memref<4x128xi32, #tpu.memory_space<vmem>> -> memref<1x128xi32, #tpu.memory_space<vmem>>
    %dma_start3A_5 = tpu.memref_squeeze %dma_start3A_4 : memref<1x128xi32, #tpu.memory_space<vmem>> -> memref<128xi32, #tpu.memory_space<vmem>>
    %dma_start3A_6 = arith.constant 0 : i32
    %dma_start3A_7 = arith.constant 0 : i32
    %dma_start3A_8 = tpu.memref_slice %arg4[%dma_start3A_6, %dma_start3A_7] : memref<100000x128xf32, #tpu.memory_space<hbm>> -> memref<100000x128xf32, #tpu.memory_space<hbm>>
    tpu.enqueue_indirect_dma source(%dma_start3A_8 : memref<100000x128xf32, #tpu.memory_space<hbm>>) target(%arg7 : memref<128x128xf32, #tpu.memory_space<vmem>>) offsets(%dma_start3A_5 : memref<128xi32, #tpu.memory_space<vmem>>) semaphore(%arg13 : memref<!tpu.dma_semaphore, #tpu.memory_space<semaphore_mem>>)
    %add3A_9 = arith.constant 0 : i32
    %add3A_10 = arith.addi %mul3A_2, %add3A_9 : i32
    %dma_start3A_11 = arith.constant 0 : i32
    %dma_start3A_12 = tpu.memref_slice %arg2[%add3A_10, %dma_start3A_11] : memref<16384x64xf32, #tpu.memory_space<hbm>> -> memref<128x64xf32, #tpu.memory_space<hbm>>
    %dma_start3A_13 = arith.constant 0 : i32
    %dma_start3A_14 = tpu.memref_slice %arg2[%add3A_10, %dma_start3A_13] : memref<16384x64xf32, #tpu.memory_space<hbm>> -> memref<128x64xf32, #tpu.memory_space<hbm>>
    tpu.enqueue_dma source(%dma_start3A_14 : memref<128x64xf32, #tpu.memory_space<hbm>>) target(%arg9 : memref<128x64xf32, #tpu.memory_space<vmem>>) target_semaphore(%arg15 : memref<!tpu.dma_semaphore, #tpu.memory_space<semaphore_mem>>)
    %dma_start3A_15 = arith.constant 1 : i32
    %dma_start3A_16 = arith.constant 0 : i32
    %dma_start3A_17 = tpu.memref_slice %arg6[%dma_start3A_15, %dma_start3A_16] : memref<4x128xi32, #tpu.memory_space<vmem>> -> memref<1x128xi32, #tpu.memory_space<vmem>>
    %dma_start3A_18 = tpu.memref_squeeze %dma_start3A_17 : memref<1x128xi32, #tpu.memory_space<vmem>> -> memref<128xi32, #tpu.memory_space<vmem>>
    %dma_start3A_19 = arith.constant 0 : i32
    %dma_start3A_20 = arith.constant 0 : i32
    %dma_start3A_21 = tpu.memref_slice %arg4[%dma_start3A_19, %dma_start3A_20] : memref<100000x128xf32, #tpu.memory_space<hbm>> -> memref<100000x128xf32, #tpu.memory_space<hbm>>
    tpu.enqueue_indirect_dma source(%dma_start3A_21 : memref<100000x128xf32, #tpu.memory_space<hbm>>) target(%arg8 : memref<128x128xf32, #tpu.memory_space<vmem>>) offsets(%dma_start3A_18 : memref<128xi32, #tpu.memory_space<vmem>>) semaphore(%arg14 : memref<!tpu.dma_semaphore, #tpu.memory_space<semaphore_mem>>)
    %add3A_22 = arith.constant 128 : i32
    %add3A_23 = arith.addi %mul3A_2, %add3A_22 : i32
    %dma_start3A_24 = arith.constant 0 : i32
    %dma_start3A_25 = tpu.memref_slice %arg2[%add3A_23, %dma_start3A_24] : memref<16384x64xf32, #tpu.memory_space<hbm>> -> memref<128x64xf32, #tpu.memory_space<hbm>>
    %dma_start3A_26 = arith.constant 0 : i32
    %dma_start3A_27 = tpu.memref_slice %arg2[%add3A_23, %dma_start3A_26] : memref<16384x64xf32, #tpu.memory_space<hbm>> -> memref<128x64xf32, #tpu.memory_space<hbm>>
    tpu.enqueue_dma source(%dma_start3A_27 : memref<128x64xf32, #tpu.memory_space<hbm>>) target(%arg10 : memref<128x64xf32, #tpu.memory_space<vmem>>) target_semaphore(%arg16 : memref<!tpu.dma_semaphore, #tpu.memory_space<semaphore_mem>>)
    %dma_wait3A = arith.constant 0 : i32
    %dma_wait3A_28 = arith.constant 0 : i32
    %dma_wait3A_29 = tpu.memref_slice %arg6[%dma_wait3A, %dma_wait3A_28] : memref<4x128xi32, #tpu.memory_space<vmem>> -> memref<1x128xi32, #tpu.memory_space<vmem>>
    %dma_wait3A_30 = tpu.memref_squeeze %dma_wait3A_29 : memref<1x128xi32, #tpu.memory_space<vmem>> -> memref<128xi32, #tpu.memory_space<vmem>>
    %dma_wait3A_31 = arith.constant 0 : i32
    %dma_wait3A_32 = arith.constant 0 : i32
    %dma_wait3A_33 = tpu.memref_slice %arg4[%dma_wait3A_31, %dma_wait3A_32] : memref<100000x128xf32, #tpu.memory_space<hbm>> -> memref<100000x128xf32, #tpu.memory_space<hbm>>
    tpu.wait_indirect_dma semaphore(%arg13 : memref<!tpu.dma_semaphore, #tpu.memory_space<semaphore_mem>>) src(%dma_wait3A_33 : memref<100000x128xf32, #tpu.memory_space<hbm>>) dst(%arg7 : memref<128x128xf32, #tpu.memory_space<vmem>>)
    %dma_wait3A_34 = arith.constant 0 : i32
    %dma_wait3A_35 = tpu.memref_slice %arg2[%add3A_10, %dma_wait3A_34] : memref<16384x64xf32, #tpu.memory_space<hbm>> -> memref<128x64xf32, #tpu.memory_space<hbm>>
    %dma_wait3A_36 = arith.constant 0 : i32
    %dma_wait3A_37 = tpu.memref_slice %arg2[%add3A_10, %dma_wait3A_36] : memref<16384x64xf32, #tpu.memory_space<hbm>> -> memref<128x64xf32, #tpu.memory_space<hbm>>
    tpu.wait_dma2 semaphore(%arg15 : memref<!tpu.dma_semaphore, #tpu.memory_space<semaphore_mem>>) src(%dma_wait3A_37 : memref<128x64xf32, #tpu.memory_space<hbm>>) dst(%arg9 : memref<128x64xf32, #tpu.memory_space<vmem>>)
    %parallel_loop3A = arith.constant 0 : i32
    %parallel_loop3A_38 = arith.constant 128 : i32
    %parallel_loop3A_39 = arith.constant 1 : i32
    scf.for %parallel_loop3A_148 = %parallel_loop3A to %parallel_loop3A_38 step %parallel_loop3A_39  : i32 {
      %parallel_loop3A_149 = arith.index_cast %parallel_loop3A_148 : i32 to index
      %parallel_loop3A_150 = arith.constant 0 : index
      %parallel_loop3A_151 = tpu.vector_load %arg7[%parallel_loop3A_149, %parallel_loop3A_150] {strides = array<i32>} : memref<128x128xf32, #tpu.memory_space<vmem>>, vector<1x16xf32>,
      %parallel_loop3A_152 = vector.shape_cast %parallel_loop3A_151 : vector<1x16xf32> to vector<16xf32>
      %parallel_loop3A_153 = arith.index_cast %parallel_loop3A_148 : i32 to index
      %parallel_loop3A_154 = arith.constant 0 : index
      %parallel_loop3A_155 = tpu.vector_load %arg9[%parallel_loop3A_153, %parallel_loop3A_154] {strides = array<i32>} : memref<128x64xf32, #tpu.memory_space<vmem>>, vector<1x16xf32>,
      %parallel_loop3A_156 = vector.shape_cast %parallel_loop3A_155 : vector<1x16xf32> to vector<16xf32>
      %parallel_loop3A_157 = arith.mulf %parallel_loop3A_152, %parallel_loop3A_156 : vector<16xf32>
      %parallel_loop3A_158 = arith.index_cast %parallel_loop3A_148 : i32 to index
      %parallel_loop3A_159 = arith.constant 64 : index
      %parallel_loop3A_160 = tpu.vector_load %arg7[%parallel_loop3A_158, %parallel_loop3A_159] {strides = array<i32>} : memref<128x128xf32, #tpu.memory_space<vmem>>, vector<1x16xf32>,
      %parallel_loop3A_161 = vector.shape_cast %parallel_loop3A_160 : vector<1x16xf32> to vector<16xf32>
      %parallel_loop3A_162 = arith.addf %parallel_loop3A_157, %parallel_loop3A_161 : vector<16xf32>
      %parallel_loop3A_163 = arith.index_cast %parallel_loop3A_148 : i32 to index
      %parallel_loop3A_164 = arith.constant 0 : index
      %parallel_loop3A_165 = tpu.vector_load %arg11[%parallel_loop3A_163, %parallel_loop3A_164] {strides = array<i32>} : memref<128x64xf32, #tpu.memory_space<vmem>>, vector<1x16xf32>,
      %parallel_loop3A_166 = vector.shape_cast %parallel_loop3A_165 : vector<1x16xf32> to vector<16xf32>
      %parallel_loop3A_167 = vector.shape_cast %parallel_loop3A_162 : vector<16xf32> to vector<1x16xf32>
      tpu.vector_store %arg11[%parallel_loop3A_163, %parallel_loop3A_164], %parallel_loop3A_167 {strides = array<i32>} : memref<128x64xf32, #tpu.memory_space<vmem>>, vector<1x16xf32>,
      %parallel_loop3A_168 = arith.index_cast %parallel_loop3A_148 : i32 to index
      %parallel_loop3A_169 = arith.constant 16 : index
      %parallel_loop3A_170 = tpu.vector_load %arg7[%parallel_loop3A_168, %parallel_loop3A_169] {strides = array<i32>} : memref<128x128xf32, #tpu.memory_space<vmem>>, vector<1x16xf32>,
      %parallel_loop3A_171 = vector.shape_cast %parallel_loop3A_170 : vector<1x16xf32> to vector<16xf32>
      %parallel_loop3A_172 = arith.index_cast %parallel_loop3A_148 : i32 to index
      %parallel_loop3A_173 = arith.constant 16 : index
      %parallel_loop3A_174 = tpu.vector_load %arg9[%parallel_loop3A_172, %parallel_loop3A_173] {strides = array<i32>} : memref<128x64xf32, #tpu.memory_space<vmem>>, vector<1x16xf32>,
      %parallel_loop3A_175 = vector.shape_cast %parallel_loop3A_174 : vector<1x16xf32> to vector<16xf32>
      %parallel_loop3A_176 = arith.mulf %parallel_loop3A_171, %parallel_loop3A_175 : vector<16xf32>
      %parallel_loop3A_177 = arith.index_cast %parallel_loop3A_148 : i32 to index
      %parallel_loop3A_178 = arith.constant 80 : index
      %parallel_loop3A_179 = tpu.vector_load %arg7[%parallel_loop3A_177, %parallel_loop3A_178] {strides = array<i32>} : memref<128x128xf32, #tpu.memory_space<vmem>>, vector<1x16xf32>,
      %parallel_loop3A_180 = vector.shape_cast %parallel_loop3A_179 : vector<1x16xf32> to vector<16xf32>
      %parallel_loop3A_181 = arith.addf %parallel_loop3A_176, %parallel_loop3A_180 : vector<16xf32>
      %parallel_loop3A_182 = arith.index_cast %parallel_loop3A_148 : i32 to index
      %parallel_loop3A_183 = arith.constant 16 : index
      %parallel_loop3A_184 = tpu.vector_load %arg11[%parallel_loop3A_182, %parallel_loop3A_183] {strides = array<i32>} : memref<128x64xf32, #tpu.memory_space<vmem>>, vector<1x16xf32>,
      %parallel_loop3A_185 = vector.shape_cast %parallel_loop3A_184 : vector<1x16xf32> to vector<16xf32>
      %parallel_loop3A_186 = vector.shape_cast %parallel_loop3A_181 : vector<16xf32> to vector<1x16xf32>
      tpu.vector_store %arg11[%parallel_loop3A_182, %parallel_loop3A_183], %parallel_loop3A_186 {strides = array<i32>} : memref<128x64xf32, #tpu.memory_space<vmem>>, vector<1x16xf32>,
      %parallel_loop3A_187 = arith.index_cast %parallel_loop3A_148 : i32 to index
      %parallel_loop3A_188 = arith.constant 32 : index
      %parallel_loop3A_189 = tpu.vector_load %arg7[%parallel_loop3A_187, %parallel_loop3A_188] {strides = array<i32>} : memref<128x128xf32, #tpu.memory_space<vmem>>, vector<1x16xf32>,
      %parallel_loop3A_190 = vector.shape_cast %parallel_loop3A_189 : vector<1x16xf32> to vector<16xf32>
      %parallel_loop3A_191 = arith.index_cast %parallel_loop3A_148 : i32 to index
      %parallel_loop3A_192 = arith.constant 32 : index
      %parallel_loop3A_193 = tpu.vector_load %arg9[%parallel_loop3A_191, %parallel_loop3A_192] {strides = array<i32>} : memref<128x64xf32, #tpu.memory_space<vmem>>, vector<1x16xf32>,
      %parallel_loop3A_194 = vector.shape_cast %parallel_loop3A_193 : vector<1x16xf32> to vector<16xf32>
      %parallel_loop3A_195 = arith.mulf %parallel_loop3A_190, %parallel_loop3A_194 : vector<16xf32>
      %parallel_loop3A_196 = arith.index_cast %parallel_loop3A_148 : i32 to index
      %parallel_loop3A_197 = arith.constant 96 : index
      %parallel_loop3A_198 = tpu.vector_load %arg7[%parallel_loop3A_196, %parallel_loop3A_197] {strides = array<i32>} : memref<128x128xf32, #tpu.memory_space<vmem>>, vector<1x16xf32>,
      %parallel_loop3A_199 = vector.shape_cast %parallel_loop3A_198 : vector<1x16xf32> to vector<16xf32>
      %parallel_loop3A_200 = arith.addf %parallel_loop3A_195, %parallel_loop3A_199 : vector<16xf32>
      %parallel_loop3A_201 = arith.index_cast %parallel_loop3A_148 : i32 to index
      %parallel_loop3A_202 = arith.constant 32 : index
      %parallel_loop3A_203 = tpu.vector_load %arg11[%parallel_loop3A_201, %parallel_loop3A_202] {strides = array<i32>} : memref<128x64xf32, #tpu.memory_space<vmem>>, vector<1x16xf32>,
      %parallel_loop3A_204 = vector.shape_cast %parallel_loop3A_203 : vector<1x16xf32> to vector<16xf32>
      %parallel_loop3A_205 = vector.shape_cast %parallel_loop3A_200 : vector<16xf32> to vector<1x16xf32>
      tpu.vector_store %arg11[%parallel_loop3A_201, %parallel_loop3A_202], %parallel_loop3A_205 {strides = array<i32>} : memref<128x64xf32, #tpu.memory_space<vmem>>, vector<1x16xf32>,
      %parallel_loop3A_206 = arith.index_cast %parallel_loop3A_148 : i32 to index
      %parallel_loop3A_207 = arith.constant 48 : index
      %parallel_loop3A_208 = tpu.vector_load %arg7[%parallel_loop3A_206, %parallel_loop3A_207] {strides = array<i32>} : memref<128x128xf32, #tpu.memory_space<vmem>>, vector<1x16xf32>,
      %parallel_loop3A_209 = vector.shape_cast %parallel_loop3A_208 : vector<1x16xf32> to vector<16xf32>
      %parallel_loop3A_210 = arith.index_cast %parallel_loop3A_148 : i32 to index
      %parallel_loop3A_211 = arith.constant 48 : index
      %parallel_loop3A_212 = tpu.vector_load %arg9[%parallel_loop3A_210, %parallel_loop3A_211] {strides = array<i32>} : memref<128x64xf32, #tpu.memory_space<vmem>>, vector<1x16xf32>,
      %parallel_loop3A_213 = vector.shape_cast %parallel_loop3A_212 : vector<1x16xf32> to vector<16xf32>
      %parallel_loop3A_214 = arith.mulf %parallel_loop3A_209, %parallel_loop3A_213 : vector<16xf32>
      %parallel_loop3A_215 = arith.index_cast %parallel_loop3A_148 : i32 to index
      %parallel_loop3A_216 = arith.constant 112 : index
      %parallel_loop3A_217 = tpu.vector_load %arg7[%parallel_loop3A_215, %parallel_loop3A_216] {strides = array<i32>} : memref<128x128xf32, #tpu.memory_space<vmem>>, vector<1x16xf32>,
      %parallel_loop3A_218 = vector.shape_cast %parallel_loop3A_217 : vector<1x16xf32> to vector<16xf32>
      %parallel_loop3A_219 = arith.addf %parallel_loop3A_214, %parallel_loop3A_218 : vector<16xf32>
      %parallel_loop3A_220 = arith.index_cast %parallel_loop3A_148 : i32 to index
      %parallel_loop3A_221 = arith.constant 48 : index
      %parallel_loop3A_222 = tpu.vector_load %arg11[%parallel_loop3A_220, %parallel_loop3A_221] {strides = array<i32>} : memref<128x64xf32, #tpu.memory_space<vmem>>, vector<1x16xf32>,
      %parallel_loop3A_223 = vector.shape_cast %parallel_loop3A_222 : vector<1x16xf32> to vector<16xf32>
      %parallel_loop3A_224 = vector.shape_cast %parallel_loop3A_219 : vector<16xf32> to vector<1x16xf32>
      tpu.vector_store %arg11[%parallel_loop3A_220, %parallel_loop3A_221], %parallel_loop3A_224 {strides = array<i32>} : memref<128x64xf32, #tpu.memory_space<vmem>>, vector<1x16xf32>,
    } {sc.loop_unroll_factor = 8 : i64, sc.parallel_access}
    %add3A_40 = arith.constant 0 : i32
    %add3A_41 = arith.addi %mul3A_2, %add3A_40 : i32
    %dma_start3A_42 = arith.constant 0 : i32
    %dma_start3A_43 = tpu.memref_slice %arg5[%add3A_41, %dma_start3A_42] : memref<16384x64xf32, #tpu.memory_space<hbm>> -> memref<128x64xf32, #tpu.memory_space<hbm>>
    %dma_start3A_44 = arith.constant 0 : i32
    %dma_start3A_45 = tpu.memref_slice %arg5[%add3A_41, %dma_start3A_44] : memref<16384x64xf32, #tpu.memory_space<hbm>> -> memref<128x64xf32, #tpu.memory_space<hbm>>
    tpu.enqueue_dma source(%arg11 : memref<128x64xf32, #tpu.memory_space<vmem>>) target(%dma_start3A_45 : memref<128x64xf32, #tpu.memory_space<hbm>>) target_semaphore(%arg17 : memref<!tpu.dma_semaphore, #tpu.memory_space<semaphore_mem>>)
    %dma_start3A_46 = arith.constant 2 : i32
    %dma_start3A_47 = arith.constant 0 : i32
    %dma_start3A_48 = tpu.memref_slice %arg6[%dma_start3A_46, %dma_start3A_47] : memref<4x128xi32, #tpu.memory_space<vmem>> -> memref<1x128xi32, #tpu.memory_space<vmem>>
    %dma_start3A_49 = tpu.memref_squeeze %dma_start3A_48 : memref<1x128xi32, #tpu.memory_space<vmem>> -> memref<128xi32, #tpu.memory_space<vmem>>
    %dma_start3A_50 = arith.constant 0 : i32
    %dma_start3A_51 = arith.constant 0 : i32
    %dma_start3A_52 = tpu.memref_slice %arg4[%dma_start3A_50, %dma_start3A_51] : memref<100000x128xf32, #tpu.memory_space<hbm>> -> memref<100000x128xf32, #tpu.memory_space<hbm>>
    tpu.enqueue_indirect_dma source(%dma_start3A_52 : memref<100000x128xf32, #tpu.memory_space<hbm>>) target(%arg7 : memref<128x128xf32, #tpu.memory_space<vmem>>) offsets(%dma_start3A_49 : memref<128xi32, #tpu.memory_space<vmem>>) semaphore(%arg13 : memref<!tpu.dma_semaphore, #tpu.memory_space<semaphore_mem>>)
    %add3A_53 = arith.constant 256 : i32
    %add3A_54 = arith.addi %mul3A_2, %add3A_53 : i32
    %dma_start3A_55 = arith.constant 0 : i32
    %dma_start3A_56 = tpu.memref_slice %arg2[%add3A_54, %dma_start3A_55] : memref<16384x64xf32, #tpu.memory_space<hbm>> -> memref<128x64xf32, #tpu.memory_space<hbm>>
    %dma_start3A_57 = arith.constant 0 : i32
    %dma_start3A_58 = tpu.memref_slice %arg2[%add3A_54, %dma_start3A_57] : memref<16384x64xf32, #tpu.memory_space<hbm>> -> memref<128x64xf32, #tpu.memory_space<hbm>>
    tpu.enqueue_dma source(%dma_start3A_58 : memref<128x64xf32, #tpu.memory_space<hbm>>) target(%arg9 : memref<128x64xf32, #tpu.memory_space<vmem>>) target_semaphore(%arg15 : memref<!tpu.dma_semaphore, #tpu.memory_space<semaphore_mem>>)
    %dma_wait3A_59 = arith.constant 1 : i32
    %dma_wait3A_60 = arith.constant 0 : i32
    %dma_wait3A_61 = tpu.memref_slice %arg6[%dma_wait3A_59, %dma_wait3A_60] : memref<4x128xi32, #tpu.memory_space<vmem>> -> memref<1x128xi32, #tpu.memory_space<vmem>>
    %dma_wait3A_62 = tpu.memref_squeeze %dma_wait3A_61 : memref<1x128xi32, #tpu.memory_space<vmem>> -> memref<128xi32, #tpu.memory_space<vmem>>
    %dma_wait3A_63 = arith.constant 0 : i32
    %dma_wait3A_64 = arith.constant 0 : i32
    %dma_wait3A_65 = tpu.memref_slice %arg4[%dma_wait3A_63, %dma_wait3A_64] : memref<100000x128xf32, #tpu.memory_space<hbm>> -> memref<100000x128xf32, #tpu.memory_space<hbm>>
    tpu.wait_indirect_dma semaphore(%arg14 : memref<!tpu.dma_semaphore, #tpu.memory_space<semaphore_mem>>) src(%dma_wait3A_65 : memref<100000x128xf32, #tpu.memory_space<hbm>>) dst(%arg8 : memref<128x128xf32, #tpu.memory_space<vmem>>)
    %dma_wait3A_66 = arith.constant 0 : i32
    %dma_wait3A_67 = tpu.memref_slice %arg2[%add3A_23, %dma_wait3A_66] : memref<16384x64xf32, #tpu.memory_space<hbm>> -> memref<128x64xf32, #tpu.memory_space<hbm>>
    %dma_wait3A_68 = arith.constant 0 : i32
    %dma_wait3A_69 = tpu.memref_slice %arg2[%add3A_23, %dma_wait3A_68] : memref<16384x64xf32, #tpu.memory_space<hbm>> -> memref<128x64xf32, #tpu.memory_space<hbm>>
    tpu.wait_dma2 semaphore(%arg16 : memref<!tpu.dma_semaphore, #tpu.memory_space<semaphore_mem>>) src(%dma_wait3A_69 : memref<128x64xf32, #tpu.memory_space<hbm>>) dst(%arg10 : memref<128x64xf32, #tpu.memory_space<vmem>>)
    %parallel_loop3A_70 = arith.constant 0 : i32
    %parallel_loop3A_71 = arith.constant 128 : i32
    %parallel_loop3A_72 = arith.constant 1 : i32
    scf.for %parallel_loop3A_148 = %parallel_loop3A_70 to %parallel_loop3A_71 step %parallel_loop3A_72  : i32 {
      %parallel_loop3A_149 = arith.index_cast %parallel_loop3A_148 : i32 to index
      %parallel_loop3A_150 = arith.constant 0 : index
      %parallel_loop3A_151 = tpu.vector_load %arg8[%parallel_loop3A_149, %parallel_loop3A_150] {strides = array<i32>} : memref<128x128xf32, #tpu.memory_space<vmem>>, vector<1x16xf32>,
      %parallel_loop3A_152 = vector.shape_cast %parallel_loop3A_151 : vector<1x16xf32> to vector<16xf32>
      %parallel_loop3A_153 = arith.index_cast %parallel_loop3A_148 : i32 to index
      %parallel_loop3A_154 = arith.constant 0 : index
      %parallel_loop3A_155 = tpu.vector_load %arg10[%parallel_loop3A_153, %parallel_loop3A_154] {strides = array<i32>} : memref<128x64xf32, #tpu.memory_space<vmem>>, vector<1x16xf32>,
      %parallel_loop3A_156 = vector.shape_cast %parallel_loop3A_155 : vector<1x16xf32> to vector<16xf32>
      %parallel_loop3A_157 = arith.mulf %parallel_loop3A_152, %parallel_loop3A_156 : vector<16xf32>
      %parallel_loop3A_158 = arith.index_cast %parallel_loop3A_148 : i32 to index
      %parallel_loop3A_159 = arith.constant 64 : index
      %parallel_loop3A_160 = tpu.vector_load %arg8[%parallel_loop3A_158, %parallel_loop3A_159] {strides = array<i32>} : memref<128x128xf32, #tpu.memory_space<vmem>>, vector<1x16xf32>,
      %parallel_loop3A_161 = vector.shape_cast %parallel_loop3A_160 : vector<1x16xf32> to vector<16xf32>
      %parallel_loop3A_162 = arith.addf %parallel_loop3A_157, %parallel_loop3A_161 : vector<16xf32>
      %parallel_loop3A_163 = arith.index_cast %parallel_loop3A_148 : i32 to index
      %parallel_loop3A_164 = arith.constant 0 : index
      %parallel_loop3A_165 = tpu.vector_load %arg12[%parallel_loop3A_163, %parallel_loop3A_164] {strides = array<i32>} : memref<128x64xf32, #tpu.memory_space<vmem>>, vector<1x16xf32>,
      %parallel_loop3A_166 = vector.shape_cast %parallel_loop3A_165 : vector<1x16xf32> to vector<16xf32>
      %parallel_loop3A_167 = vector.shape_cast %parallel_loop3A_162 : vector<16xf32> to vector<1x16xf32>
      tpu.vector_store %arg12[%parallel_loop3A_163, %parallel_loop3A_164], %parallel_loop3A_167 {strides = array<i32>} : memref<128x64xf32, #tpu.memory_space<vmem>>, vector<1x16xf32>,
      %parallel_loop3A_168 = arith.index_cast %parallel_loop3A_148 : i32 to index
      %parallel_loop3A_169 = arith.constant 16 : index
      %parallel_loop3A_170 = tpu.vector_load %arg8[%parallel_loop3A_168, %parallel_loop3A_169] {strides = array<i32>} : memref<128x128xf32, #tpu.memory_space<vmem>>, vector<1x16xf32>,
      %parallel_loop3A_171 = vector.shape_cast %parallel_loop3A_170 : vector<1x16xf32> to vector<16xf32>
      %parallel_loop3A_172 = arith.index_cast %parallel_loop3A_148 : i32 to index
      %parallel_loop3A_173 = arith.constant 16 : index
      %parallel_loop3A_174 = tpu.vector_load %arg10[%parallel_loop3A_172, %parallel_loop3A_173] {strides = array<i32>} : memref<128x64xf32, #tpu.memory_space<vmem>>, vector<1x16xf32>,
      %parallel_loop3A_175 = vector.shape_cast %parallel_loop3A_174 : vector<1x16xf32> to vector<16xf32>
      %parallel_loop3A_176 = arith.mulf %parallel_loop3A_171, %parallel_loop3A_175 : vector<16xf32>
      %parallel_loop3A_177 = arith.index_cast %parallel_loop3A_148 : i32 to index
      %parallel_loop3A_178 = arith.constant 80 : index
      %parallel_loop3A_179 = tpu.vector_load %arg8[%parallel_loop3A_177, %parallel_loop3A_178] {strides = array<i32>} : memref<128x128xf32, #tpu.memory_space<vmem>>, vector<1x16xf32>,
      %parallel_loop3A_180 = vector.shape_cast %parallel_loop3A_179 : vector<1x16xf32> to vector<16xf32>
      %parallel_loop3A_181 = arith.addf %parallel_loop3A_176, %parallel_loop3A_180 : vector<16xf32>
      %parallel_loop3A_182 = arith.index_cast %parallel_loop3A_148 : i32 to index
      %parallel_loop3A_183 = arith.constant 16 : index
      %parallel_loop3A_184 = tpu.vector_load %arg12[%parallel_loop3A_182, %parallel_loop3A_183] {strides = array<i32>} : memref<128x64xf32, #tpu.memory_space<vmem>>, vector<1x16xf32>,
      %parallel_loop3A_185 = vector.shape_cast %parallel_loop3A_184 : vector<1x16xf32> to vector<16xf32>
      %parallel_loop3A_186 = vector.shape_cast %parallel_loop3A_181 : vector<16xf32> to vector<1x16xf32>
      tpu.vector_store %arg12[%parallel_loop3A_182, %parallel_loop3A_183], %parallel_loop3A_186 {strides = array<i32>} : memref<128x64xf32, #tpu.memory_space<vmem>>, vector<1x16xf32>,
      %parallel_loop3A_187 = arith.index_cast %parallel_loop3A_148 : i32 to index
      %parallel_loop3A_188 = arith.constant 32 : index
      %parallel_loop3A_189 = tpu.vector_load %arg8[%parallel_loop3A_187, %parallel_loop3A_188] {strides = array<i32>} : memref<128x128xf32, #tpu.memory_space<vmem>>, vector<1x16xf32>,
      %parallel_loop3A_190 = vector.shape_cast %parallel_loop3A_189 : vector<1x16xf32> to vector<16xf32>
      %parallel_loop3A_191 = arith.index_cast %parallel_loop3A_148 : i32 to index
      %parallel_loop3A_192 = arith.constant 32 : index
      %parallel_loop3A_193 = tpu.vector_load %arg10[%parallel_loop3A_191, %parallel_loop3A_192] {strides = array<i32>} : memref<128x64xf32, #tpu.memory_space<vmem>>, vector<1x16xf32>,
      %parallel_loop3A_194 = vector.shape_cast %parallel_loop3A_193 : vector<1x16xf32> to vector<16xf32>
      %parallel_loop3A_195 = arith.mulf %parallel_loop3A_190, %parallel_loop3A_194 : vector<16xf32>
      %parallel_loop3A_196 = arith.index_cast %parallel_loop3A_148 : i32 to index
      %parallel_loop3A_197 = arith.constant 96 : index
      %parallel_loop3A_198 = tpu.vector_load %arg8[%parallel_loop3A_196, %parallel_loop3A_197] {strides = array<i32>} : memref<128x128xf32, #tpu.memory_space<vmem>>, vector<1x16xf32>,
      %parallel_loop3A_199 = vector.shape_cast %parallel_loop3A_198 : vector<1x16xf32> to vector<16xf32>
      %parallel_loop3A_200 = arith.addf %parallel_loop3A_195, %parallel_loop3A_199 : vector<16xf32>
      %parallel_loop3A_201 = arith.index_cast %parallel_loop3A_148 : i32 to index
      %parallel_loop3A_202 = arith.constant 32 : index
      %parallel_loop3A_203 = tpu.vector_load %arg12[%parallel_loop3A_201, %parallel_loop3A_202] {strides = array<i32>} : memref<128x64xf32, #tpu.memory_space<vmem>>, vector<1x16xf32>,
      %parallel_loop3A_204 = vector.shape_cast %parallel_loop3A_203 : vector<1x16xf32> to vector<16xf32>
      %parallel_loop3A_205 = vector.shape_cast %parallel_loop3A_200 : vector<16xf32> to vector<1x16xf32>
      tpu.vector_store %arg12[%parallel_loop3A_201, %parallel_loop3A_202], %parallel_loop3A_205 {strides = array<i32>} : memref<128x64xf32, #tpu.memory_space<vmem>>, vector<1x16xf32>,
      %parallel_loop3A_206 = arith.index_cast %parallel_loop3A_148 : i32 to index
      %parallel_loop3A_207 = arith.constant 48 : index
      %parallel_loop3A_208 = tpu.vector_load %arg8[%parallel_loop3A_206, %parallel_loop3A_207] {strides = array<i32>} : memref<128x128xf32, #tpu.memory_space<vmem>>, vector<1x16xf32>,
      %parallel_loop3A_209 = vector.shape_cast %parallel_loop3A_208 : vector<1x16xf32> to vector<16xf32>
      %parallel_loop3A_210 = arith.index_cast %parallel_loop3A_148 : i32 to index
      %parallel_loop3A_211 = arith.constant 48 : index
      %parallel_loop3A_212 = tpu.vector_load %arg10[%parallel_loop3A_210, %parallel_loop3A_211] {strides = array<i32>} : memref<128x64xf32, #tpu.memory_space<vmem>>, vector<1x16xf32>,
      %parallel_loop3A_213 = vector.shape_cast %parallel_loop3A_212 : vector<1x16xf32> to vector<16xf32>
      %parallel_loop3A_214 = arith.mulf %parallel_loop3A_209, %parallel_loop3A_213 : vector<16xf32>
      %parallel_loop3A_215 = arith.index_cast %parallel_loop3A_148 : i32 to index
      %parallel_loop3A_216 = arith.constant 112 : index
      %parallel_loop3A_217 = tpu.vector_load %arg8[%parallel_loop3A_215, %parallel_loop3A_216] {strides = array<i32>} : memref<128x128xf32, #tpu.memory_space<vmem>>, vector<1x16xf32>,
      %parallel_loop3A_218 = vector.shape_cast %parallel_loop3A_217 : vector<1x16xf32> to vector<16xf32>
      %parallel_loop3A_219 = arith.addf %parallel_loop3A_214, %parallel_loop3A_218 : vector<16xf32>
      %parallel_loop3A_220 = arith.index_cast %parallel_loop3A_148 : i32 to index
      %parallel_loop3A_221 = arith.constant 48 : index
      %parallel_loop3A_222 = tpu.vector_load %arg12[%parallel_loop3A_220, %parallel_loop3A_221] {strides = array<i32>} : memref<128x64xf32, #tpu.memory_space<vmem>>, vector<1x16xf32>,
      %parallel_loop3A_223 = vector.shape_cast %parallel_loop3A_222 : vector<1x16xf32> to vector<16xf32>
      %parallel_loop3A_224 = vector.shape_cast %parallel_loop3A_219 : vector<16xf32> to vector<1x16xf32>
      tpu.vector_store %arg12[%parallel_loop3A_220, %parallel_loop3A_221], %parallel_loop3A_224 {strides = array<i32>} : memref<128x64xf32, #tpu.memory_space<vmem>>, vector<1x16xf32>,
    } {sc.loop_unroll_factor = 8 : i64, sc.parallel_access}
    %add3A_73 = arith.constant 128 : i32
    %add3A_74 = arith.addi %mul3A_2, %add3A_73 : i32
    %dma_start3A_75 = arith.constant 0 : i32
    %dma_start3A_76 = tpu.memref_slice %arg5[%add3A_74, %dma_start3A_75] : memref<16384x64xf32, #tpu.memory_space<hbm>> -> memref<128x64xf32, #tpu.memory_space<hbm>>
    %dma_start3A_77 = arith.constant 0 : i32
    %dma_start3A_78 = tpu.memref_slice %arg5[%add3A_74, %dma_start3A_77] : memref<16384x64xf32, #tpu.memory_space<hbm>> -> memref<128x64xf32, #tpu.memory_space<hbm>>
    tpu.enqueue_dma source(%arg12 : memref<128x64xf32, #tpu.memory_space<vmem>>) target(%dma_start3A_78 : memref<128x64xf32, #tpu.memory_space<hbm>>) target_semaphore(%arg18 : memref<!tpu.dma_semaphore, #tpu.memory_space<semaphore_mem>>)
    %dma_start3A_79 = arith.constant 3 : i32
    %dma_start3A_80 = arith.constant 0 : i32
    %dma_start3A_81 = tpu.memref_slice %arg6[%dma_start3A_79, %dma_start3A_80] : memref<4x128xi32, #tpu.memory_space<vmem>> -> memref<1x128xi32, #tpu.memory_space<vmem>>
    %dma_start3A_82 = tpu.memref_squeeze %dma_start3A_81 : memref<1x128xi32, #tpu.memory_space<vmem>> -> memref<128xi32, #tpu.memory_space<vmem>>
    %dma_start3A_83 = arith.constant 0 : i32
    %dma_start3A_84 = arith.constant 0 : i32
    %dma_start3A_85 = tpu.memref_slice %arg4[%dma_start3A_83, %dma_start3A_84] : memref<100000x128xf32, #tpu.memory_space<hbm>> -> memref<100000x128xf32, #tpu.memory_space<hbm>>
    tpu.enqueue_indirect_dma source(%dma_start3A_85 : memref<100000x128xf32, #tpu.memory_space<hbm>>) target(%arg8 : memref<128x128xf32, #tpu.memory_space<vmem>>) offsets(%dma_start3A_82 : memref<128xi32, #tpu.memory_space<vmem>>) semaphore(%arg14 : memref<!tpu.dma_semaphore, #tpu.memory_space<semaphore_mem>>)
    %add3A_86 = arith.constant 384 : i32
    %add3A_87 = arith.addi %mul3A_2, %add3A_86 : i32
    %dma_start3A_88 = arith.constant 0 : i32
    %dma_start3A_89 = tpu.memref_slice %arg2[%add3A_87, %dma_start3A_88] : memref<16384x64xf32, #tpu.memory_space<hbm>> -> memref<128x64xf32, #tpu.memory_space<hbm>>
    %dma_start3A_90 = arith.constant 0 : i32
    %dma_start3A_91 = tpu.memref_slice %arg2[%add3A_87, %dma_start3A_90] : memref<16384x64xf32, #tpu.memory_space<hbm>> -> memref<128x64xf32, #tpu.memory_space<hbm>>
    tpu.enqueue_dma source(%dma_start3A_91 : memref<128x64xf32, #tpu.memory_space<hbm>>) target(%arg10 : memref<128x64xf32, #tpu.memory_space<vmem>>) target_semaphore(%arg16 : memref<!tpu.dma_semaphore, #tpu.memory_space<semaphore_mem>>)
    %dma_wait3A_92 = arith.constant 2 : i32
    %dma_wait3A_93 = arith.constant 0 : i32
    %dma_wait3A_94 = tpu.memref_slice %arg6[%dma_wait3A_92, %dma_wait3A_93] : memref<4x128xi32, #tpu.memory_space<vmem>> -> memref<1x128xi32, #tpu.memory_space<vmem>>
    %dma_wait3A_95 = tpu.memref_squeeze %dma_wait3A_94 : memref<1x128xi32, #tpu.memory_space<vmem>> -> memref<128xi32, #tpu.memory_space<vmem>>
    %dma_wait3A_96 = arith.constant 0 : i32
    %dma_wait3A_97 = arith.constant 0 : i32
    %dma_wait3A_98 = tpu.memref_slice %arg4[%dma_wait3A_96, %dma_wait3A_97] : memref<100000x128xf32, #tpu.memory_space<hbm>> -> memref<100000x128xf32, #tpu.memory_space<hbm>>
    tpu.wait_indirect_dma semaphore(%arg13 : memref<!tpu.dma_semaphore, #tpu.memory_space<semaphore_mem>>) src(%dma_wait3A_98 : memref<100000x128xf32, #tpu.memory_space<hbm>>) dst(%arg7 : memref<128x128xf32, #tpu.memory_space<vmem>>)
    %dma_wait3A_99 = arith.constant 0 : i32
    %dma_wait3A_100 = tpu.memref_slice %arg2[%add3A_54, %dma_wait3A_99] : memref<16384x64xf32, #tpu.memory_space<hbm>> -> memref<128x64xf32, #tpu.memory_space<hbm>>
    %dma_wait3A_101 = arith.constant 0 : i32
    %dma_wait3A_102 = tpu.memref_slice %arg2[%add3A_54, %dma_wait3A_101] : memref<16384x64xf32, #tpu.memory_space<hbm>> -> memref<128x64xf32, #tpu.memory_space<hbm>>
    tpu.wait_dma2 semaphore(%arg15 : memref<!tpu.dma_semaphore, #tpu.memory_space<semaphore_mem>>) src(%dma_wait3A_102 : memref<128x64xf32, #tpu.memory_space<hbm>>) dst(%arg9 : memref<128x64xf32, #tpu.memory_space<vmem>>)
    %dma_wait3A_103 = arith.constant 0 : i32
    %dma_wait3A_104 = tpu.memref_slice %arg5[%add3A_41, %dma_wait3A_103] : memref<16384x64xf32, #tpu.memory_space<hbm>> -> memref<128x64xf32, #tpu.memory_space<hbm>>
    %dma_wait3A_105 = arith.constant 0 : i32
    %dma_wait3A_106 = tpu.memref_slice %arg5[%add3A_41, %dma_wait3A_105] : memref<16384x64xf32, #tpu.memory_space<hbm>> -> memref<128x64xf32, #tpu.memory_space<hbm>>
    tpu.wait_dma2 semaphore(%arg17 : memref<!tpu.dma_semaphore, #tpu.memory_space<semaphore_mem>>) src(%arg11 : memref<128x64xf32, #tpu.memory_space<vmem>>) dst(%dma_wait3A_106 : memref<128x64xf32, #tpu.memory_space<hbm>>)
    %parallel_loop3A_107 = arith.constant 0 : i32
    %parallel_loop3A_108 = arith.constant 128 : i32
    %parallel_loop3A_109 = arith.constant 1 : i32
    scf.for %parallel_loop3A_148 = %parallel_loop3A_107 to %parallel_loop3A_108 step %parallel_loop3A_109  : i32 {
      %parallel_loop3A_149 = arith.index_cast %parallel_loop3A_148 : i32 to index
      %parallel_loop3A_150 = arith.constant 0 : index
      %parallel_loop3A_151 = tpu.vector_load %arg7[%parallel_loop3A_149, %parallel_loop3A_150] {strides = array<i32>} : memref<128x128xf32, #tpu.memory_space<vmem>>, vector<1x16xf32>,
      %parallel_loop3A_152 = vector.shape_cast %parallel_loop3A_151 : vector<1x16xf32> to vector<16xf32>
      %parallel_loop3A_153 = arith.index_cast %parallel_loop3A_148 : i32 to index
      %parallel_loop3A_154 = arith.constant 0 : index
      %parallel_loop3A_155 = tpu.vector_load %arg9[%parallel_loop3A_153, %parallel_loop3A_154] {strides = array<i32>} : memref<128x64xf32, #tpu.memory_space<vmem>>, vector<1x16xf32>,
      %parallel_loop3A_156 = vector.shape_cast %parallel_loop3A_155 : vector<1x16xf32> to vector<16xf32>
      %parallel_loop3A_157 = arith.mulf %parallel_loop3A_152, %parallel_loop3A_156 : vector<16xf32>
      %parallel_loop3A_158 = arith.index_cast %parallel_loop3A_148 : i32 to index
      %parallel_loop3A_159 = arith.constant 64 : index
      %parallel_loop3A_160 = tpu.vector_load %arg7[%parallel_loop3A_158, %parallel_loop3A_159] {strides = array<i32>} : memref<128x128xf32, #tpu.memory_space<vmem>>, vector<1x16xf32>,
      %parallel_loop3A_161 = vector.shape_cast %parallel_loop3A_160 : vector<1x16xf32> to vector<16xf32>
      %parallel_loop3A_162 = arith.addf %parallel_loop3A_157, %parallel_loop3A_161 : vector<16xf32>
      %parallel_loop3A_163 = arith.index_cast %parallel_loop3A_148 : i32 to index
      %parallel_loop3A_164 = arith.constant 0 : index
      %parallel_loop3A_165 = tpu.vector_load %arg11[%parallel_loop3A_163, %parallel_loop3A_164] {strides = array<i32>} : memref<128x64xf32, #tpu.memory_space<vmem>>, vector<1x16xf32>,
      %parallel_loop3A_166 = vector.shape_cast %parallel_loop3A_165 : vector<1x16xf32> to vector<16xf32>
      %parallel_loop3A_167 = vector.shape_cast %parallel_loop3A_162 : vector<16xf32> to vector<1x16xf32>
      tpu.vector_store %arg11[%parallel_loop3A_163, %parallel_loop3A_164], %parallel_loop3A_167 {strides = array<i32>} : memref<128x64xf32, #tpu.memory_space<vmem>>, vector<1x16xf32>,
      %parallel_loop3A_168 = arith.index_cast %parallel_loop3A_148 : i32 to index
      %parallel_loop3A_169 = arith.constant 16 : index
      %parallel_loop3A_170 = tpu.vector_load %arg7[%parallel_loop3A_168, %parallel_loop3A_169] {strides = array<i32>} : memref<128x128xf32, #tpu.memory_space<vmem>>, vector<1x16xf32>,
      %parallel_loop3A_171 = vector.shape_cast %parallel_loop3A_170 : vector<1x16xf32> to vector<16xf32>
      %parallel_loop3A_172 = arith.index_cast %parallel_loop3A_148 : i32 to index
      %parallel_loop3A_173 = arith.constant 16 : index
      %parallel_loop3A_174 = tpu.vector_load %arg9[%parallel_loop3A_172, %parallel_loop3A_173] {strides = array<i32>} : memref<128x64xf32, #tpu.memory_space<vmem>>, vector<1x16xf32>,
      %parallel_loop3A_175 = vector.shape_cast %parallel_loop3A_174 : vector<1x16xf32> to vector<16xf32>
      %parallel_loop3A_176 = arith.mulf %parallel_loop3A_171, %parallel_loop3A_175 : vector<16xf32>
      %parallel_loop3A_177 = arith.index_cast %parallel_loop3A_148 : i32 to index
      %parallel_loop3A_178 = arith.constant 80 : index
      %parallel_loop3A_179 = tpu.vector_load %arg7[%parallel_loop3A_177, %parallel_loop3A_178] {strides = array<i32>} : memref<128x128xf32, #tpu.memory_space<vmem>>, vector<1x16xf32>,
      %parallel_loop3A_180 = vector.shape_cast %parallel_loop3A_179 : vector<1x16xf32> to vector<16xf32>
      %parallel_loop3A_181 = arith.addf %parallel_loop3A_176, %parallel_loop3A_180 : vector<16xf32>
      %parallel_loop3A_182 = arith.index_cast %parallel_loop3A_148 : i32 to index
      %parallel_loop3A_183 = arith.constant 16 : index
      %parallel_loop3A_184 = tpu.vector_load %arg11[%parallel_loop3A_182, %parallel_loop3A_183] {strides = array<i32>} : memref<128x64xf32, #tpu.memory_space<vmem>>, vector<1x16xf32>,
      %parallel_loop3A_185 = vector.shape_cast %parallel_loop3A_184 : vector<1x16xf32> to vector<16xf32>
      %parallel_loop3A_186 = vector.shape_cast %parallel_loop3A_181 : vector<16xf32> to vector<1x16xf32>
      tpu.vector_store %arg11[%parallel_loop3A_182, %parallel_loop3A_183], %parallel_loop3A_186 {strides = array<i32>} : memref<128x64xf32, #tpu.memory_space<vmem>>, vector<1x16xf32>,
      %parallel_loop3A_187 = arith.index_cast %parallel_loop3A_148 : i32 to index
      %parallel_loop3A_188 = arith.constant 32 : index
      %parallel_loop3A_189 = tpu.vector_load %arg7[%parallel_loop3A_187, %parallel_loop3A_188] {strides = array<i32>} : memref<128x128xf32, #tpu.memory_space<vmem>>, vector<1x16xf32>,
      %parallel_loop3A_190 = vector.shape_cast %parallel_loop3A_189 : vector<1x16xf32> to vector<16xf32>
      %parallel_loop3A_191 = arith.index_cast %parallel_loop3A_148 : i32 to index
      %parallel_loop3A_192 = arith.constant 32 : index
      %parallel_loop3A_193 = tpu.vector_load %arg9[%parallel_loop3A_191, %parallel_loop3A_192] {strides = array<i32>} : memref<128x64xf32, #tpu.memory_space<vmem>>, vector<1x16xf32>,
      %parallel_loop3A_194 = vector.shape_cast %parallel_loop3A_193 : vector<1x16xf32> to vector<16xf32>
      %parallel_loop3A_195 = arith.mulf %parallel_loop3A_190, %parallel_loop3A_194 : vector<16xf32>
      %parallel_loop3A_196 = arith.index_cast %parallel_loop3A_148 : i32 to index
      %parallel_loop3A_197 = arith.constant 96 : index
      %parallel_loop3A_198 = tpu.vector_load %arg7[%parallel_loop3A_196, %parallel_loop3A_197] {strides = array<i32>} : memref<128x128xf32, #tpu.memory_space<vmem>>, vector<1x16xf32>,
      %parallel_loop3A_199 = vector.shape_cast %parallel_loop3A_198 : vector<1x16xf32> to vector<16xf32>
      %parallel_loop3A_200 = arith.addf %parallel_loop3A_195, %parallel_loop3A_199 : vector<16xf32>
      %parallel_loop3A_201 = arith.index_cast %parallel_loop3A_148 : i32 to index
      %parallel_loop3A_202 = arith.constant 32 : index
      %parallel_loop3A_203 = tpu.vector_load %arg11[%parallel_loop3A_201, %parallel_loop3A_202] {strides = array<i32>} : memref<128x64xf32, #tpu.memory_space<vmem>>, vector<1x16xf32>,
      %parallel_loop3A_204 = vector.shape_cast %parallel_loop3A_203 : vector<1x16xf32> to vector<16xf32>
      %parallel_loop3A_205 = vector.shape_cast %parallel_loop3A_200 : vector<16xf32> to vector<1x16xf32>
      tpu.vector_store %arg11[%parallel_loop3A_201, %parallel_loop3A_202], %parallel_loop3A_205 {strides = array<i32>} : memref<128x64xf32, #tpu.memory_space<vmem>>, vector<1x16xf32>,
      %parallel_loop3A_206 = arith.index_cast %parallel_loop3A_148 : i32 to index
      %parallel_loop3A_207 = arith.constant 48 : index
      %parallel_loop3A_208 = tpu.vector_load %arg7[%parallel_loop3A_206, %parallel_loop3A_207] {strides = array<i32>} : memref<128x128xf32, #tpu.memory_space<vmem>>, vector<1x16xf32>,
      %parallel_loop3A_209 = vector.shape_cast %parallel_loop3A_208 : vector<1x16xf32> to vector<16xf32>
      %parallel_loop3A_210 = arith.index_cast %parallel_loop3A_148 : i32 to index
      %parallel_loop3A_211 = arith.constant 48 : index
      %parallel_loop3A_212 = tpu.vector_load %arg9[%parallel_loop3A_210, %parallel_loop3A_211] {strides = array<i32>} : memref<128x64xf32, #tpu.memory_space<vmem>>, vector<1x16xf32>,
      %parallel_loop3A_213 = vector.shape_cast %parallel_loop3A_212 : vector<1x16xf32> to vector<16xf32>
      %parallel_loop3A_214 = arith.mulf %parallel_loop3A_209, %parallel_loop3A_213 : vector<16xf32>
      %parallel_loop3A_215 = arith.index_cast %parallel_loop3A_148 : i32 to index
      %parallel_loop3A_216 = arith.constant 112 : index
      %parallel_loop3A_217 = tpu.vector_load %arg7[%parallel_loop3A_215, %parallel_loop3A_216] {strides = array<i32>} : memref<128x128xf32, #tpu.memory_space<vmem>>, vector<1x16xf32>,
      %parallel_loop3A_218 = vector.shape_cast %parallel_loop3A_217 : vector<1x16xf32> to vector<16xf32>
      %parallel_loop3A_219 = arith.addf %parallel_loop3A_214, %parallel_loop3A_218 : vector<16xf32>
      %parallel_loop3A_220 = arith.index_cast %parallel_loop3A_148 : i32 to index
      %parallel_loop3A_221 = arith.constant 48 : index
      %parallel_loop3A_222 = tpu.vector_load %arg11[%parallel_loop3A_220, %parallel_loop3A_221] {strides = array<i32>} : memref<128x64xf32, #tpu.memory_space<vmem>>, vector<1x16xf32>,
      %parallel_loop3A_223 = vector.shape_cast %parallel_loop3A_222 : vector<1x16xf32> to vector<16xf32>
      %parallel_loop3A_224 = vector.shape_cast %parallel_loop3A_219 : vector<16xf32> to vector<1x16xf32>
      tpu.vector_store %arg11[%parallel_loop3A_220, %parallel_loop3A_221], %parallel_loop3A_224 {strides = array<i32>} : memref<128x64xf32, #tpu.memory_space<vmem>>, vector<1x16xf32>,
    } {sc.loop_unroll_factor = 8 : i64, sc.parallel_access}
    %add3A_110 = arith.constant 256 : i32
    %add3A_111 = arith.addi %mul3A_2, %add3A_110 : i32
    %dma_start3A_112 = arith.constant 0 : i32
    %dma_start3A_113 = tpu.memref_slice %arg5[%add3A_111, %dma_start3A_112] : memref<16384x64xf32, #tpu.memory_space<hbm>> -> memref<128x64xf32, #tpu.memory_space<hbm>>
    %dma_start3A_114 = arith.constant 0 : i32
    %dma_start3A_115 = tpu.memref_slice %arg5[%add3A_111, %dma_start3A_114] : memref<16384x64xf32, #tpu.memory_space<hbm>> -> memref<128x64xf32, #tpu.memory_space<hbm>>
    tpu.enqueue_dma source(%arg11 : memref<128x64xf32, #tpu.memory_space<vmem>>) target(%dma_start3A_115 : memref<128x64xf32, #tpu.memory_space<hbm>>) target_semaphore(%arg17 : memref<!tpu.dma_semaphore, #tpu.memory_space<semaphore_mem>>)
    %dma_wait3A_116 = arith.constant 3 : i32
    %dma_wait3A_117 = arith.constant 0 : i32
    %dma_wait3A_118 = tpu.memref_slice %arg6[%dma_wait3A_116, %dma_wait3A_117] : memref<4x128xi32, #tpu.memory_space<vmem>> -> memref<1x128xi32, #tpu.memory_space<vmem>>
    %dma_wait3A_119 = tpu.memref_squeeze %dma_wait3A_118 : memref<1x128xi32, #tpu.memory_space<vmem>> -> memref<128xi32, #tpu.memory_space<vmem>>
    %dma_wait3A_120 = arith.constant 0 : i32
    %dma_wait3A_121 = arith.constant 0 : i32
    %dma_wait3A_122 = tpu.memref_slice %arg4[%dma_wait3A_120, %dma_wait3A_121] : memref<100000x128xf32, #tpu.memory_space<hbm>> -> memref<100000x128xf32, #tpu.memory_space<hbm>>
    tpu.wait_indirect_dma semaphore(%arg14 : memref<!tpu.dma_semaphore, #tpu.memory_space<semaphore_mem>>) src(%dma_wait3A_122 : memref<100000x128xf32, #tpu.memory_space<hbm>>) dst(%arg8 : memref<128x128xf32, #tpu.memory_space<vmem>>)
    %dma_wait3A_123 = arith.constant 0 : i32
    %dma_wait3A_124 = tpu.memref_slice %arg2[%add3A_87, %dma_wait3A_123] : memref<16384x64xf32, #tpu.memory_space<hbm>> -> memref<128x64xf32, #tpu.memory_space<hbm>>
    %dma_wait3A_125 = arith.constant 0 : i32
    %dma_wait3A_126 = tpu.memref_slice %arg2[%add3A_87, %dma_wait3A_125] : memref<16384x64xf32, #tpu.memory_space<hbm>> -> memref<128x64xf32, #tpu.memory_space<hbm>>
    tpu.wait_dma2 semaphore(%arg16 : memref<!tpu.dma_semaphore, #tpu.memory_space<semaphore_mem>>) src(%dma_wait3A_126 : memref<128x64xf32, #tpu.memory_space<hbm>>) dst(%arg10 : memref<128x64xf32, #tpu.memory_space<vmem>>)
    %dma_wait3A_127 = arith.constant 0 : i32
    %dma_wait3A_128 = tpu.memref_slice %arg5[%add3A_74, %dma_wait3A_127] : memref<16384x64xf32, #tpu.memory_space<hbm>> -> memref<128x64xf32, #tpu.memory_space<hbm>>
    %dma_wait3A_129 = arith.constant 0 : i32
    %dma_wait3A_130 = tpu.memref_slice %arg5[%add3A_74, %dma_wait3A_129] : memref<16384x64xf32, #tpu.memory_space<hbm>> -> memref<128x64xf32, #tpu.memory_space<hbm>>
    tpu.wait_dma2 semaphore(%arg18 : memref<!tpu.dma_semaphore, #tpu.memory_space<semaphore_mem>>) src(%arg12 : memref<128x64xf32, #tpu.memory_space<vmem>>) dst(%dma_wait3A_130 : memref<128x64xf32, #tpu.memory_space<hbm>>)
    %parallel_loop3A_131 = arith.constant 0 : i32
    %parallel_loop3A_132 = arith.constant 128 : i32
    %parallel_loop3A_133 = arith.constant 1 : i32
    scf.for %parallel_loop3A_148 = %parallel_loop3A_131 to %parallel_loop3A_132 step %parallel_loop3A_133  : i32 {
      %parallel_loop3A_149 = arith.index_cast %parallel_loop3A_148 : i32 to index
      %parallel_loop3A_150 = arith.constant 0 : index
      %parallel_loop3A_151 = tpu.vector_load %arg8[%parallel_loop3A_149, %parallel_loop3A_150] {strides = array<i32>} : memref<128x128xf32, #tpu.memory_space<vmem>>, vector<1x16xf32>,
      %parallel_loop3A_152 = vector.shape_cast %parallel_loop3A_151 : vector<1x16xf32> to vector<16xf32>
      %parallel_loop3A_153 = arith.index_cast %parallel_loop3A_148 : i32 to index
      %parallel_loop3A_154 = arith.constant 0 : index
      %parallel_loop3A_155 = tpu.vector_load %arg10[%parallel_loop3A_153, %parallel_loop3A_154] {strides = array<i32>} : memref<128x64xf32, #tpu.memory_space<vmem>>, vector<1x16xf32>,
      %parallel_loop3A_156 = vector.shape_cast %parallel_loop3A_155 : vector<1x16xf32> to vector<16xf32>
      %parallel_loop3A_157 = arith.mulf %parallel_loop3A_152, %parallel_loop3A_156 : vector<16xf32>
      %parallel_loop3A_158 = arith.index_cast %parallel_loop3A_148 : i32 to index
      %parallel_loop3A_159 = arith.constant 64 : index
      %parallel_loop3A_160 = tpu.vector_load %arg8[%parallel_loop3A_158, %parallel_loop3A_159] {strides = array<i32>} : memref<128x128xf32, #tpu.memory_space<vmem>>, vector<1x16xf32>,
      %parallel_loop3A_161 = vector.shape_cast %parallel_loop3A_160 : vector<1x16xf32> to vector<16xf32>
      %parallel_loop3A_162 = arith.addf %parallel_loop3A_157, %parallel_loop3A_161 : vector<16xf32>
      %parallel_loop3A_163 = arith.index_cast %parallel_loop3A_148 : i32 to index
      %parallel_loop3A_164 = arith.constant 0 : index
      %parallel_loop3A_165 = tpu.vector_load %arg12[%parallel_loop3A_163, %parallel_loop3A_164] {strides = array<i32>} : memref<128x64xf32, #tpu.memory_space<vmem>>, vector<1x16xf32>,
      %parallel_loop3A_166 = vector.shape_cast %parallel_loop3A_165 : vector<1x16xf32> to vector<16xf32>
      %parallel_loop3A_167 = vector.shape_cast %parallel_loop3A_162 : vector<16xf32> to vector<1x16xf32>
      tpu.vector_store %arg12[%parallel_loop3A_163, %parallel_loop3A_164], %parallel_loop3A_167 {strides = array<i32>} : memref<128x64xf32, #tpu.memory_space<vmem>>, vector<1x16xf32>,
      %parallel_loop3A_168 = arith.index_cast %parallel_loop3A_148 : i32 to index
      %parallel_loop3A_169 = arith.constant 16 : index
      %parallel_loop3A_170 = tpu.vector_load %arg8[%parallel_loop3A_168, %parallel_loop3A_169] {strides = array<i32>} : memref<128x128xf32, #tpu.memory_space<vmem>>, vector<1x16xf32>,
      %parallel_loop3A_171 = vector.shape_cast %parallel_loop3A_170 : vector<1x16xf32> to vector<16xf32>
      %parallel_loop3A_172 = arith.index_cast %parallel_loop3A_148 : i32 to index
      %parallel_loop3A_173 = arith.constant 16 : index
      %parallel_loop3A_174 = tpu.vector_load %arg10[%parallel_loop3A_172, %parallel_loop3A_173] {strides = array<i32>} : memref<128x64xf32, #tpu.memory_space<vmem>>, vector<1x16xf32>,
      %parallel_loop3A_175 = vector.shape_cast %parallel_loop3A_174 : vector<1x16xf32> to vector<16xf32>
      %parallel_loop3A_176 = arith.mulf %parallel_loop3A_171, %parallel_loop3A_175 : vector<16xf32>
      %parallel_loop3A_177 = arith.index_cast %parallel_loop3A_148 : i32 to index
      %parallel_loop3A_178 = arith.constant 80 : index
      %parallel_loop3A_179 = tpu.vector_load %arg8[%parallel_loop3A_177, %parallel_loop3A_178] {strides = array<i32>} : memref<128x128xf32, #tpu.memory_space<vmem>>, vector<1x16xf32>,
      %parallel_loop3A_180 = vector.shape_cast %parallel_loop3A_179 : vector<1x16xf32> to vector<16xf32>
      %parallel_loop3A_181 = arith.addf %parallel_loop3A_176, %parallel_loop3A_180 : vector<16xf32>
      %parallel_loop3A_182 = arith.index_cast %parallel_loop3A_148 : i32 to index
      %parallel_loop3A_183 = arith.constant 16 : index
      %parallel_loop3A_184 = tpu.vector_load %arg12[%parallel_loop3A_182, %parallel_loop3A_183] {strides = array<i32>} : memref<128x64xf32, #tpu.memory_space<vmem>>, vector<1x16xf32>,
      %parallel_loop3A_185 = vector.shape_cast %parallel_loop3A_184 : vector<1x16xf32> to vector<16xf32>
      %parallel_loop3A_186 = vector.shape_cast %parallel_loop3A_181 : vector<16xf32> to vector<1x16xf32>
      tpu.vector_store %arg12[%parallel_loop3A_182, %parallel_loop3A_183], %parallel_loop3A_186 {strides = array<i32>} : memref<128x64xf32, #tpu.memory_space<vmem>>, vector<1x16xf32>,
      %parallel_loop3A_187 = arith.index_cast %parallel_loop3A_148 : i32 to index
      %parallel_loop3A_188 = arith.constant 32 : index
      %parallel_loop3A_189 = tpu.vector_load %arg8[%parallel_loop3A_187, %parallel_loop3A_188] {strides = array<i32>} : memref<128x128xf32, #tpu.memory_space<vmem>>, vector<1x16xf32>,
      %parallel_loop3A_190 = vector.shape_cast %parallel_loop3A_189 : vector<1x16xf32> to vector<16xf32>
      %parallel_loop3A_191 = arith.index_cast %parallel_loop3A_148 : i32 to index
      %parallel_loop3A_192 = arith.constant 32 : index
      %parallel_loop3A_193 = tpu.vector_load %arg10[%parallel_loop3A_191, %parallel_loop3A_192] {strides = array<i32>} : memref<128x64xf32, #tpu.memory_space<vmem>>, vector<1x16xf32>,
      %parallel_loop3A_194 = vector.shape_cast %parallel_loop3A_193 : vector<1x16xf32> to vector<16xf32>
      %parallel_loop3A_195 = arith.mulf %parallel_loop3A_190, %parallel_loop3A_194 : vector<16xf32>
      %parallel_loop3A_196 = arith.index_cast %parallel_loop3A_148 : i32 to index
      %parallel_loop3A_197 = arith.constant 96 : index
      %parallel_loop3A_198 = tpu.vector_load %arg8[%parallel_loop3A_196, %parallel_loop3A_197] {strides = array<i32>} : memref<128x128xf32, #tpu.memory_space<vmem>>, vector<1x16xf32>,
      %parallel_loop3A_199 = vector.shape_cast %parallel_loop3A_198 : vector<1x16xf32> to vector<16xf32>
      %parallel_loop3A_200 = arith.addf %parallel_loop3A_195, %parallel_loop3A_199 : vector<16xf32>
      %parallel_loop3A_201 = arith.index_cast %parallel_loop3A_148 : i32 to index
      %parallel_loop3A_202 = arith.constant 32 : index
      %parallel_loop3A_203 = tpu.vector_load %arg12[%parallel_loop3A_201, %parallel_loop3A_202] {strides = array<i32>} : memref<128x64xf32, #tpu.memory_space<vmem>>, vector<1x16xf32>,
      %parallel_loop3A_204 = vector.shape_cast %parallel_loop3A_203 : vector<1x16xf32> to vector<16xf32>
      %parallel_loop3A_205 = vector.shape_cast %parallel_loop3A_200 : vector<16xf32> to vector<1x16xf32>
      tpu.vector_store %arg12[%parallel_loop3A_201, %parallel_loop3A_202], %parallel_loop3A_205 {strides = array<i32>} : memref<128x64xf32, #tpu.memory_space<vmem>>, vector<1x16xf32>,
      %parallel_loop3A_206 = arith.index_cast %parallel_loop3A_148 : i32 to index
      %parallel_loop3A_207 = arith.constant 48 : index
      %parallel_loop3A_208 = tpu.vector_load %arg8[%parallel_loop3A_206, %parallel_loop3A_207] {strides = array<i32>} : memref<128x128xf32, #tpu.memory_space<vmem>>, vector<1x16xf32>,
      %parallel_loop3A_209 = vector.shape_cast %parallel_loop3A_208 : vector<1x16xf32> to vector<16xf32>
      %parallel_loop3A_210 = arith.index_cast %parallel_loop3A_148 : i32 to index
      %parallel_loop3A_211 = arith.constant 48 : index
      %parallel_loop3A_212 = tpu.vector_load %arg10[%parallel_loop3A_210, %parallel_loop3A_211] {strides = array<i32>} : memref<128x64xf32, #tpu.memory_space<vmem>>, vector<1x16xf32>,
      %parallel_loop3A_213 = vector.shape_cast %parallel_loop3A_212 : vector<1x16xf32> to vector<16xf32>
      %parallel_loop3A_214 = arith.mulf %parallel_loop3A_209, %parallel_loop3A_213 : vector<16xf32>
      %parallel_loop3A_215 = arith.index_cast %parallel_loop3A_148 : i32 to index
      %parallel_loop3A_216 = arith.constant 112 : index
      %parallel_loop3A_217 = tpu.vector_load %arg8[%parallel_loop3A_215, %parallel_loop3A_216] {strides = array<i32>} : memref<128x128xf32, #tpu.memory_space<vmem>>, vector<1x16xf32>,
      %parallel_loop3A_218 = vector.shape_cast %parallel_loop3A_217 : vector<1x16xf32> to vector<16xf32>
      %parallel_loop3A_219 = arith.addf %parallel_loop3A_214, %parallel_loop3A_218 : vector<16xf32>
      %parallel_loop3A_220 = arith.index_cast %parallel_loop3A_148 : i32 to index
      %parallel_loop3A_221 = arith.constant 48 : index
      %parallel_loop3A_222 = tpu.vector_load %arg12[%parallel_loop3A_220, %parallel_loop3A_221] {strides = array<i32>} : memref<128x64xf32, #tpu.memory_space<vmem>>, vector<1x16xf32>,
      %parallel_loop3A_223 = vector.shape_cast %parallel_loop3A_222 : vector<1x16xf32> to vector<16xf32>
      %parallel_loop3A_224 = vector.shape_cast %parallel_loop3A_219 : vector<16xf32> to vector<1x16xf32>
      tpu.vector_store %arg12[%parallel_loop3A_220, %parallel_loop3A_221], %parallel_loop3A_224 {strides = array<i32>} : memref<128x64xf32, #tpu.memory_space<vmem>>, vector<1x16xf32>,
    } {sc.loop_unroll_factor = 8 : i64, sc.parallel_access}
    %add3A_134 = arith.constant 384 : i32
    %add3A_135 = arith.addi %mul3A_2, %add3A_134 : i32
    %dma_start3A_136 = arith.constant 0 : i32
    %dma_start3A_137 = tpu.memref_slice %arg5[%add3A_135, %dma_start3A_136] : memref<16384x64xf32, #tpu.memory_space<hbm>> -> memref<128x64xf32, #tpu.memory_space<hbm>>
    %dma_start3A_138 = arith.constant 0 : i32
    %dma_start3A_139 = tpu.memref_slice %arg5[%add3A_135, %dma_start3A_138] : memref<16384x64xf32, #tpu.memory_space<hbm>> -> memref<128x64xf32, #tpu.memory_space<hbm>>
    tpu.enqueue_dma source(%arg12 : memref<128x64xf32, #tpu.memory_space<vmem>>) target(%dma_start3A_139 : memref<128x64xf32, #tpu.memory_space<hbm>>) target_semaphore(%arg18 : memref<!tpu.dma_semaphore, #tpu.memory_space<semaphore_mem>>)
    %dma_wait3A_140 = arith.constant 0 : i32
    %dma_wait3A_141 = tpu.memref_slice %arg5[%add3A_111, %dma_wait3A_140] : memref<16384x64xf32, #tpu.memory_space<hbm>> -> memref<128x64xf32, #tpu.memory_space<hbm>>
    %dma_wait3A_142 = arith.constant 0 : i32
    %dma_wait3A_143 = tpu.memref_slice %arg5[%add3A_111, %dma_wait3A_142] : memref<16384x64xf32, #tpu.memory_space<hbm>> -> memref<128x64xf32, #tpu.memory_space<hbm>>
    tpu.wait_dma2 semaphore(%arg17 : memref<!tpu.dma_semaphore, #tpu.memory_space<semaphore_mem>>) src(%arg11 : memref<128x64xf32, #tpu.memory_space<vmem>>) dst(%dma_wait3A_143 : memref<128x64xf32, #tpu.memory_space<hbm>>)
    %dma_wait3A_144 = arith.constant 0 : i32
    %dma_wait3A_145 = tpu.memref_slice %arg5[%add3A_135, %dma_wait3A_144] : memref<16384x64xf32, #tpu.memory_space<hbm>> -> memref<128x64xf32, #tpu.memory_space<hbm>>
    %dma_wait3A_146 = arith.constant 0 : i32
    %dma_wait3A_147 = tpu.memref_slice %arg5[%add3A_135, %dma_wait3A_146] : memref<16384x64xf32, #tpu.memory_space<hbm>> -> memref<128x64xf32, #tpu.memory_space<hbm>>
    tpu.wait_dma2 semaphore(%arg18 : memref<!tpu.dma_semaphore, #tpu.memory_space<semaphore_mem>>) src(%arg12 : memref<128x64xf32, #tpu.memory_space<vmem>>) dst(%dma_wait3A_147 : memref<128x64xf32, #tpu.memory_space<hbm>>)
    return
  }
}

</mosaic_0001>

<sc_bundles>
// kernel: kernel.3.cloned.1.call-start
scs
__scs_entry_jumppad:
0x0: {  	(pc) =	sbr.rel $0x88, $3  }
0x1: {  	(tag) =	ssettag $0x0;
	lr =	simm.s32 $0x1  }
0x2: {  	[smem:$0x3F9E] =	sst lr;
	_ =	strace $0xD0000000  }
0x3: {  	_ = 	snop  }
0x4: {  	_ = 	snop  }
0x5: {  	_ = 	snop  }
0x6: {  	_ = 	snop  }
0x7: {  	_ = 	snop  }
__scs_overlays_trampoline_lowered:
0x8: {  	[smem:$0x3FAD] =	sst s0  }
0x9: {  	[smem:$0x3FAE] =	sst s1  }
0xa: {  	[smem:$0x3FAF] =	sst s2  }
0xb: {  	[smem:$0x3FB0] =	sst s3  }
0xc: {  	[smem:$0x3FB1] =	sst s4  }
0xd: {  	[smem:$0x3FB2] =	sst s5  }
0xe: {  	[smem:$0x3FB3] =	sst s6  }
0xf: {  	[smem:$0x3FB4] =	sst s7  }
0x10: {  	[smem:$0x3FB5] =	sst s8  }
0x11: {  	[smem:$0x3FB6] =	sst s9;
	s0 =	simm.s32 @!p0 $0x0  }
0x12: {  	s1 =	sld [smem:$0x3F9C];
	s0 =	simm.s32 @p0 $0x1  }
0x13: {  	[smem:$0x3FB7] =	sst s0;
	s0 =	simm.s32 @!p1 $0x0  }
0x14: {  	s2 =	sld [smem:$0x3F9B];
	s0 =	simm.s32 @p1 $0x1  }
0x15: {  	[smem:$0x3FB8] =	sst s0;
	s0 =	simm.s32 @!p2 $0x0  }
0x16: {  	s3 =	sld [smem:$0x3FDB];
	s0 =	simm.s32 @p2 $0x1  }
0x17: {  	s4 =	simm.s32 $0x1BF5;
	[smem:$0x3FBA] =	sst s0  }
0x18: {  	s0 =	sld [smem:$0x3F9D];
	_ =	swait.ge [sflag:s4], $0x0  }
0x19: {  	s7 =	sld [smem:$0x3F9E]  }
0x1a: {  	s8 =	sadd.s32 $0xFFFFE003, lr  }
0x1b: {  	s9 =	sadd.s32 $0xFFFFFEF7, lr;
	s5 =	simm.s32 $0xFFFFFFFF;
	p2 =	slt.u32 s8, $0xFFFFF086  }
0x1c: {  	p1 =	slt.u32 s9, $0xF7A;
	s5 =	simm.s32 @!p2 $0x0  }
0x1d: {  	s5 =	simm.s32 @p1 $0x1;
	p0 =	seq.s32 s7, s2  }
0x1e: {  	s7 =	smul.u32 @!p0 $0xF7A, s2;
	p2 =	seq.s32 @!p0 s5, $0x0  }
0x1f: {  	s9 =	smul.u32 $0xF7A, s1;
	s8 =	simm.s32 @!p0 $0x1BF5;
	p2 =	por !p2, p0  }
0x20: {  	[sflag:s8] =	ssyncset.s32 @!p0 $0xFFFFF086;
	s6 =	sadd.s32 @!p0 s3, s7;
	s7 =	simm.s32 @!p0 $0x108  }
0x21: {  	s3 =	sadd.s32 s3, s9;
	s6 =	sadd.s32 @!p0 $0x88, s6;
	s7 =	simm.s32 @p2 $0x1082  }
0x22: {  	[simem:s7], [sflag:s8] =	dma.local @!p0 [hbm:s6], $0xF7A  }
0x23: {  	s9 =	sor.u32 $0xD0000000, s2;
	s6 =	simm.s32 $0x108;
	_ =	swait.ge @!p0 [sflag:s8], $0x0  }
0x24: {  	s3 =	sadd.s32 $0x88, s3;
	s6 =	simm.s32 @!p1 $0x1082;
	[sflag:s4] =	ssyncset.s32 $0xFFFFF086  }
0x25: {  	[simem:s6], [sflag:s4] =	dma.local [hbm:s3], $0xF7A  }
0x26: {  	[smem:$0x3F9E] =	sst s1;
	(tag) =	ssettag s2;
	_ =	strace s9  }
0x27: {  	s1 =	sld [smem:$0x3FAE]  }
0x28: {  	s2 =	sld [smem:$0x3FAF]  }
0x29: {  	s4 =	sld [smem:$0x3FB1]  }
0x2a: {  	p0 =	seq.s32 s5, $0x0;
	s5 =	sld [smem:$0x3FB2]  }
0x2b: {  	s6 =	sld [smem:$0x3FB3]  }
0x2c: {  	s7 =	sld [smem:$0x3FB4]  }
0x2d: {  	s3 =	simm.s32 $0x108;
	s8 =	sld [smem:$0x3FB5]  }
0x2e: {  	s3 =	simm.s32 @!p0 $0x1082;
	s9 =	sld [smem:$0x3FB6]  }
0x2f: {  	lr =	sadd.s32 s0, s3;
	s0 =	sld [smem:$0x3FAD]  }
0x30: {  	s3 =	sld [smem:$0x3FB0]  }
0x31: {  	[smem:$0x3FB9] =	sst s10  }
0x32: {  	s10 =	sld [smem:$0x3FB7];
	_ =	sdelay $0x3  }
0x33: {  	p0 =	seq.s32 s10, $0x1;
	s10 =	sld [smem:$0x3FB9];
	_ =	sdelay $0x3  }
0x34: {  	[smem:$0x3FB9] =	sst s10  }
0x35: {  	s10 =	sld [smem:$0x3FB8];
	_ =	sdelay $0x3  }
0x36: {  	p1 =	seq.s32 s10, $0x1;
	s10 =	sld [smem:$0x3FB9];
	_ =	sdelay $0x3  }
0x37: {  	[smem:$0x3FB9] =	sst s10  }
0x38: {  	s10 =	sld [smem:$0x3FBA]  }
0x39: {  	_ = 	snop;
	(pc) =	sbr.ind lr, $3  }
0x3a: {  	_ = 	snop  }
0x3b: {  	_ = 	snop  }
0x3c: {  	p2 =	seq.s32 s10, $0x1;
	s10 =	sld [smem:$0x3FB9]  }
0x3d: {  	_ =	shalt  }
0x3e: {  	_ =	shalt  }
0x3f: {  	_ =	shalt  }
0x40: {  	_ =	shalt  }
0x41: {  	_ =	shalt  }
0x42: {  	_ =	shalt  }
0x43: {  	_ =	shalt  }
0x44: {  	_ =	shalt  }
0x45: {  	_ =	shalt  }
0x46: {  	_ =	shalt  }
0x47: {  	_ =	shalt  }
0x48: {  	_ =	shalt  }
0x49: {  	_ =	shalt  }
0x4a: {  	_ =	shalt  }
0x4b: {  	_ =	shalt  }
0x4c: {  	_ =	shalt  }
0x4d: {  	_ =	shalt  }
0x4e: {  	_ =	shalt  }
0x4f: {  	_ =	shalt  }
0x50: {  	_ =	shalt  }
0x51: {  	_ =	shalt  }
0x52: {  	_ =	shalt  }
0x53: {  	_ =	shalt  }
0x54: {  	_ =	shalt  }
0x55: {  	_ =	shalt  }
0x56: {  	_ =	shalt  }
0x57: {  	_ =	shalt  }
0x58: {  	_ =	shalt  }
0x59: {  	_ =	shalt  }
0x5a: {  	_ =	shalt  }
0x5b: {  	_ =	shalt  }
0x5c: {  	_ =	shalt  }
0x5d: {  	_ =	shalt  }
0x5e: {  	_ =	shalt  }
0x5f: {  	_ =	shalt  }
0x60: {  	_ =	shalt  }
0x61: {  	_ =	shalt  }
0x62: {  	_ =	shalt  }
0x63: {  	_ =	shalt  }
0x64: {  	_ =	shalt  }
0x65: {  	_ =	shalt  }
0x66: {  	_ =	shalt  }
0x67: {  	_ =	shalt  }
0x68: {  	_ =	shalt  }
0x69: {  	_ =	shalt  }
0x6a: {  	_ =	shalt  }
0x6b: {  	_ =	shalt  }
0x6c: {  	_ =	shalt  }
0x6d: {  	_ =	shalt  }
0x6e: {  	_ =	shalt  }
0x6f: {  	_ =	shalt  }
0x70: {  	_ =	shalt  }
0x71: {  	_ =	shalt  }
0x72: {  	_ =	shalt  }
0x73: {  	_ =	shalt  }
0x74: {  	_ =	shalt  }
0x75: {  	_ =	shalt  }
0x76: {  	_ =	shalt  }
0x77: {  	_ =	shalt  }
0x78: {  	_ =	shalt  }
0x79: {  	_ =	shalt  }
0x7a: {  	_ =	shalt  }
0x7b: {  	_ =	shalt  }
0x7c: {  	_ =	shalt  }
0x7d: {  	_ =	shalt  }
0x7e: {  	_ =	shalt  }
0x7f: {  	_ =	shalt  }
0x80: {  	_ =	shalt  }
0x81: {  	_ =	shalt  }
0x82: {  	_ =	shalt  }
0x83: {  	_ =	shalt  }
0x84: {  	_ =	shalt  }
0x85: {  	_ =	shalt  }
0x86: {  	_ =	shalt  }
0x87: {  	_ =	shalt  }
.Lfunc_end0:
.L_simem_size_0:
called_computation_lowered:
.L_overlay_start_0:
0x88: {  	s2 =	sld [smem:$0x3FD9]  }
0x89: {  	s3 =	sld [smem:$0x3FFE];
	_ =	sdelay $0x1  }
0x8a: {  	s1 =	srdreg.scid  }
0x8b: {  	s0 =	sand.u32 $0x1, s1  }
0x8c: {  	s17 =	sshll.u32 s0, $0xA;
	s2 =	sadd.s32 s3, s2  }
0x8d: {  	s2 =	sadd.s32 s2, s17  }
0x8e: {  	[smem:$0x3FC5] =	sst s2  }
0x8f: {  	_ = 	snop  }
0x90: {  	s2 =	sld [smem:$0x3FC8]  }
0x91: {  	s18 =	sld [smem:$0x3FC7];
	(tm) =	ssettm $0x1  }
0x92: {  	s4 =	sld [smem:$0x3FFB];
	_ =	sdelay $0x3  }
0x93: {  	_ =	strace s4  }
0x94: {  	s4 =	sld [smem:$0x3FFC];
	_ =	sdelay $0x3  }
0x95: {  	_ =	strace s4  }
0x96: {  	s4 =	sld [smem:$0x3FFD];
	_ =	sdelay $0x3  }
0x97: {  	_ =	strace s4  }
0x98: {  	_ =	strace $0x8FFFFFFF  }
0x99: {  	s19 =	sld [smem:$0x3FDB];
	_ =	sdelay $0x1  }
0x9a: {  	s5 =	simm.s32 $_scs_section_size  }
0x9b: {  	s6 =	simm.s32 $_size__tile_overlayer_lowered;
	s7 =	simm.s32 $_tile_overlayer_lowered  }
0x9c: {  	s22 =	simm.s32 $0x1BFF;
	s21 =	sshll.u32 s7, $0x1;
	s4 =	sadd.s32 s5, s19  }
0x9d: {  	s8 =	simm.s32 $0x0;
	s20 =	sshll.u32 s6, $0x1;
	s6 =	sadd.s32 s21, s4  }
0x9e: {  	[timem:s8], [sflag:s22] =	dma.local [hbm:s6], s20  }
0x9f: {  	_ =	swait.ge [sflag:s22], s20  }
0xa0: {  	s5 =	ssub.s32 $0x0, s20;
	[sflag:s22] =	ssyncset.done $0x0  }
0xa1: {  	[sflag:s22] =	ssyncadd.s32 s5;
	_ =	sdelay $0x1  }
0xa2: {  	s23 =	simm.s32 $0x1B8B  }
0xa3: {  	_ =	swait.ge [sflag:s23], $0x1  }
0xa4: {  	[sflag:s23] =	ssyncset.done $0x0  }
0xa5: {  	s25 =	simm.s32 $0x1B8E;
	s24 =	sld [smem:$0x3FFE];
	[sflag:s23] =	ssyncadd.s32 $0xFFFFFFFF  }
0xa6: {  	s26 =	simm.s32 $execute0_lowered;
	[smem:$0x3FD2] =	sst s25  }
0xa7: {  	s6 =	sshll.u32 s26, $0x1;
	_ =	strace $0x80000046;
	[dreg:$0x1] =	wrdreg $0xFFFFFFFF  }
0xa8: {  	s28 =	simm.s32 $_size_execute0_lowered;
	s4 =	sadd.s32 s4, s6;
	[dreg:$0x0] =	wrdreg $0x0  }
0xa9: {  	s6 =	sshll.u32 s28, $0x1;
	[dreg:$0x2] =	wrdreg s4  }
0xaa: {  	[dreg:$0x3] =	wrdreg s6  }
0xab: {  	[dreg:$0x4] =	wrdreg $0xC0  }
0xac: {  	_ =	task [dreg:s8], $0x5FFFF  }
0xad: {  	[dreg:$0x1] =	wrdreg $0xFFFFFFFF  }
0xae: {  	[dreg:$0x0] =	wrdreg $0x60  }
0xaf: {  	[dreg:$0x2] =	wrdreg s24  }
0xb0: {  	[dreg:$0x3] =	wrdreg s2  }
0xb1: {  	[dreg:$0x4] =	wrdreg s18  }
0xb2: {  	[dreg:$0x5] =	wrdreg $0x9  }
0xb3: {  	_ =	task.clear_ibuf [dreg:s8], $0x6FFFF;
	_ =	strace $0x90000046  }
0xb4: {  	s29 =	simm.s32 $0x9;
	_ =	strace $0x80000048  }
0xb5: {  	_ =	swait.ge [sflag:s29], $0x1  }
0xb6: {  	[sflag:s29] =	ssyncadd.s32 $0xFFFFFFFF  }
0xb7: {  	_ =	strace $0x90000048  }
0xb8: {  	_ =	sfence  }
0xb9: {  	s30 =	sld [smem:$0x0];
	_ =	sdelay $0x2  }
0xba: {  	s31 =	sshll.u32 s1, $0xD;
	s1 =	sshrl.u32 s1, $0x2  }
0xbb: {  	s3 =	sand.u32 $0x4000, s31;
	s1 =	sadd.s32 s1, s30  }
0xbc: {  	s0 =	sor.u32 s3, s0;
	s1 =	sshll.u32 s1, $0x11  }
0xbd: {  	s0 =	sor.u32 s1, s0  }
0xbe: {  	s0 =	sadd.s32 $0x8F2B, s0  }
0xbf: {  	[sflag:s0] =	ssyncadd.remote.s32 $0x1  }
0xc0: {  	_ =	sfence.sel $0xFFFF  }
0xc1: {  	[dreg:$0x0] =	wrdreg $0xFFFFFFFF;
	(pc) =	sbr.abs _section_cstart, $3  }
0xc2: {  	[dreg:$0x1] =	wrdreg $0xFFFFFFFF  }
0xc3: {  	_ =	task.clear_ibuf [dreg:s8], $0x2FFFF;
	_ =	strace $0x9FFFFFFF  }
0xc4: {  	(tm) =	ssettm $0x7FFFFFFF  }
0xc5: {  	_ =	shalt  }
tec
execute0_lowered:
.L_overlay_start_1:
0x0: {  	(tag) =	ssettag $0x1  }
0x1: {  	s0 =	rddreg [dreg:$0x0]  }
0x2: {  	s3 =	rddreg [dreg:$0x1]  }
0x3: {  	s1 =	rddreg [dreg:$0x2]  }
0x4: {  	s2 =	simm.s32 $0x0;
	s4 =	srdreg.scid;
	s6 =	stileid.u32  }
0x5: {  	s14 =	simm.s32 $0x7;
	s15 =	simm.s32 $0x80;
	s18 =	simm.s32 $0x4200  }
0x6: {  	s19 =	simm.s32 $0xC200;
	s20 =	simm.s32 $0x1;
	s21 =	simm.s32 $0x3  }
0x7: {  	s22 =	simm.s32 $0x10200;
	s24 =	simm.s32 $0x2;
	s29 =	simm.s32 $0x5  }
0x8: {  	s30 =	simm.s32 $0x6;
	s31 =	simm.s32 $0x0;
	[smem:$0x7FF] =	sst s2  }
0x9: {  	s10 =	sadd.s32 $0x600, s0;
	s4 =	sand.u32 $0x1, s4;
	s6 =	sshll.u32 s6, $0xA  }
0xa: {  	s0 =	sadd.s32 $0x40600, s0;
	s5 =	ssub.s32 $0x2, s4;
	s4 =	sshll.u32 s4, $0x9  }
0xb: {  	_ =	strace $0x80000047;
	s7 =	sshrl.u32 s5, $0x1;
	s4 =	sor.u32 s4, s6  }
0xc: {  	s13 =	ssub.s32 s5, s7;
	s25 =	sshrl.u32 s4, $0x3;
	s11 =	sshll.u32 s4, $0x4  }
0xd: {  	s4 =	sadd.s32 s3, s25;
	s5 =	sadd.s32 s10, s11;
	s26 =	sor.u32 $0x800, s11  }
0xe: {  	s7 =	sadd.s32 s0, s11;
	s12 =	sor.u32 $0x1000, s11;
	s28 =	sor.u32 $0x1800, s11  }
0xf: {  	s13 =	smax.u32 s13, $0x1;
	s25 =	simm.s32 $0x4;
	s6 =	sadd.s32 s10, s26  }
0x10: {  	s8 =	sadd.s32 s10, s12;
	s9 =	sadd.s32 s0, s26;
	s10 =	sadd.s32 s10, s28  }
0x11: {  	s11 =	sadd.s32 s0, s12;
	s12 =	sadd.s32 s0, s28;
	s26 =	simm.s32 $0x14200  }
.LBB2_1:
0x12: {  	[tilespmem:s2], [sflag:$0x7] =	stream.linear.gather [hbm4b:s4+s2], $0x200, $0x38;
	[tilespmem:$0x18200] =	vst v63  }
0x13: {  	_ =	swait.ge [sflag:s14], $0x200  }
0x14: {  	[sflag:s14] =	ssyncset.done $0x0  }
0x15: {  	s0 =	simm.s32 $0x200;
	[sflag:s14] =	ssyncadd.s32 $0xFFFFFE00  }
0x16: {  	[tilespmem:s0], [sflag:$0x1] =	stream.indirect.gather [hbm4b:s1+s15], $0x80, s2, s15, $0xb8;
	[tilespmem:$0x18200] =	vst v63  }
0x17: {  	s23 =	simm.s32 $0x8200  }
0x18: {  	[tilespmem:s23], [sflag:$0x3] =	stream.linear.gather [hbm4b:s5+s2], $0x4000, $0x38;
	[tilespmem:$0x18200] =	vst v63  }
0x19: {  	_ = 	snop  }
0x1a: {  	[tilespmem:s18], [sflag:$0x2] =	stream.indirect.gather [hbm4b:s1+s15], $0x80, s15, s15, $0xb8;
	[tilespmem:$0x18200] =	vst v63  }
0x1b: {  	_ = 	snop  }
0x1c: {  	[tilespmem:s19], [sflag:$0x4] =	stream.linear.gather [hbm4b:s6+s2], $0x4000, $0x38;
	[tilespmem:$0x18200] =	vst v63  }
0x1d: {  	_ =	swait.ge [sflag:s20], $0x4000  }
0x1e: {  	[sflag:s20] =	ssyncset.done $0x0  }
0x1f: {  	[sflag:s20] =	ssyncadd.s32 $0xFFFFC000  }
0x20: {  	_ =	swait.ge [sflag:s21], $0x4000  }
0x21: {  	[sflag:s21] =	ssyncset.done $0x0  }
0x22: {  	s0 =	simm.s32 $0x400;
	[sflag:s21] =	ssyncadd.s32 $0xFFFFC000  }
0x23: {  	s23 =	simm.s32 $0x8400;
	v0 =	vld [tilespmem:s0+$0x180]  }
0x24: {  	v1 =	vld [tilespmem:s23+$0x180]  }
0x25: {  	v2 =	vld [tilespmem:s23+$0xFFFFFE00]  }
0x26: {  	v3 =	vld [tilespmem:s0+$0x1C0]  }
0x27: {  	v4 =	vld [tilespmem:s0+$0xFFFFFE80]  }
0x28: {  	v5 =	vld [tilespmem:s23+$0xFFFFFE80]  }
0x29: {  	v6 =	vld [tilespmem:s0+$0xFFFFFF00]  }
0x2a: {  	v7 =	vld [tilespmem:s0+$0xFFFFFF80]  }
0x2b: {  	v8 =	vld [tilespmem:s0+$0x0]  }
0x2c: {  	v10 =	vld [tilespmem:s23+$0x0]  }
0x2d: {  	v12 =	vld [tilespmem:s0+$0x80]  }
0x2e: {  	v13 =	vld [tilespmem:s23+$0x80]  }
0x2f: {  	v14 =	vld [tilespmem:s0+$0x100]  }
0x30: {  	v15 =	vld [tilespmem:s0+$0xFFFFFE00]  }
0x31: {  	v16 =	vld [tilespmem:s0+$0xFFFFFEC0]  }
0x32: {  	v18 =	vld [tilespmem:s0+$0xFFFFFF40];
	v0 =	vmul.f32 v1, v0  }
0x33: {  	v19 =	vld [tilespmem:s0+$0xFFFFFFC0]  }
0x34: {  	v1 =	vld [tilespmem:s23+$0xFFFFFF00];
	v0 =	vadd.f32 v3, v0  }
0x35: {  	s3 =	simm.s32 $0x10400;
	v4 =	vmul.f32 v5, v4;
	v5 =	vld [tilespmem:s0+$0x40]  }
0x36: {  	v3 =	vld [tilespmem:s23+$0xFFFFFF80];
	[tilespmem:s3+$0x180] =	vst v0  }
0x37: {  	v4 =	vadd.f32 v16, v4;
	v0 =	vld [tilespmem:s0+$0x190]  }
0x38: {  	v8 =	vmul.f32 v10, v8;
	v9 =	vld [tilespmem:s23+$0x190]  }
0x39: {  	[tilespmem:s3+$0xFFFFFE80] =	vst v4;
	v11 =	vld [tilespmem:s0+$0x1D0]  }
0x3a: {  	v1 =	vmul.f32 v1, v6;
	v6 =	vld [tilespmem:s0+$0xFFFFFE90];
	v5 =	vadd.f32 v5, v8  }
0x3b: {  	v36 =	vld [tilespmem:s23+$0xFFFFFE90]  }
0x3c: {  	v41 =	vld [tilespmem:s0+$0xFFFFFED0];
	[tilespmem:s3+$0x0] =	vst v5  }
0x3d: {  	v1 =	vadd.f32 v18, v1;
	v37 =	vld [tilespmem:s0+$0x10]  }
0x3e: {  	v3 =	vmul.f32 v3, v7;
	v44 =	vld [tilespmem:s0+$0x50]  }
0x3f: {  	[tilespmem:s3+$0xFFFFFF00] =	vst v1;
	v0 =	vmul.f32 v9, v0;
	v9 =	vld [tilespmem:s23+$0x100]  }
0x40: {  	v1 =	vadd.f32 v19, v3;
	v10 =	vld [tilespmem:s0+$0xFFFFFF10]  }
0x41: {  	v42 =	vld [tilespmem:s0+$0xFFFFFF50]  }
0x42: {  	[tilespmem:s3+$0xFFFFFF80] =	vst v1;
	v1 =	vld [tilespmem:s23+$0xFFFFFF10]  }
0x43: {  	v0 =	vadd.f32 v11, v0;
	v11 =	vld [tilespmem:s0+$0xFFFFFE40]  }
0x44: {  	v8 =	vld [tilespmem:s0+$0xFFFFFF90]  }
0x45: {  	v6 =	vmul.f32 v36, v6;
	v5 =	vld [tilespmem:s23+$0xFFFFFF90]  }
0x46: {  	v43 =	vld [tilespmem:s0+$0xFFFFFFD0];
	[tilespmem:s3+$0x190] =	vst v0  }
0x47: {  	v6 =	vadd.f32 v41, v6;
	v0 =	vld [tilespmem:s0+$0x1A0]  }
0x48: {  	v17 =	vld [tilespmem:s23+$0x1A0]  }
0x49: {  	v2 =	vmul.f32 v2, v15;
	[tilespmem:s3+$0xFFFFFE90] =	vst v6;
	v34 =	vld [tilespmem:s0+$0x1E0]  }
0x4a: {  	v52 =	vld [tilespmem:s0+$0xFFFFFEE0]  }
0x4b: {  	v2 =	vadd.f32 v11, v2;
	v11 =	vld [tilespmem:s0+$0xC0]  }
0x4c: {  	v5 =	vmul.f32 v5, v8;
	v8 =	vld [tilespmem:s0+$0xFFFFFEA0]  }
0x4d: {  	v1 =	vmul.f32 v1, v10;
	[tilespmem:s3+$0xFFFFFE00] =	vst v2;
	v2 =	vld [tilespmem:s0+$0x140]  }
0x4e: {  	v35 =	vld [tilespmem:s0+$0xFFFFFE10]  }
0x4f: {  	v1 =	vadd.f32 v42, v1;
	v4 =	vld [tilespmem:s23+$0xFFFFFE10]  }
0x50: {  	v39 =	vld [tilespmem:s0+$0xFFFFFE50]  }
0x51: {  	v5 =	vadd.f32 v43, v5;
	v0 =	vmul.f32 v17, v0;
	[tilespmem:s3+$0xFFFFFF10] =	vst v1;
	v1 =	vld [tilespmem:s23+$0xFFFFFEA0]  }
0x52: {  	v46 =	vld [tilespmem:s0+$0xFFFFFF20]  }
0x53: {  	v9 =	vmul.f32 v9, v14;
	[tilespmem:s3+$0xFFFFFF90] =	vst v5;
	v5 =	vld [tilespmem:s23+$0xFFFFFF20];
	v0 =	vadd.f32 v34, v0  }
0x54: {  	v12 =	vmul.f32 v13, v12;
	v53 =	vld [tilespmem:s0+$0xFFFFFFE0]  }
0x55: {  	[tilespmem:s3+$0x1A0] =	vst v0;
	v2 =	vadd.f32 v2, v9;
	v9 =	vld [tilespmem:s23+$0x10]  }
0x56: {  	v11 =	vadd.f32 v11, v12;
	v0 =	vld [tilespmem:s0+$0x1B0]  }
0x57: {  	v7 =	vld [tilespmem:s23+$0x1B0]  }
0x58: {  	[tilespmem:s3+$0x80] =	vst v11;
	v3 =	vld [tilespmem:s0+$0x1F0]  }
0x59: {  	v11 =	vld [tilespmem:s0+$0x90]  }
0x5a: {  	v4 =	vmul.f32 v4, v35;
	v45 =	vld [tilespmem:s0+$0xD0]  }
0x5b: {  	[tilespmem:s3+$0x100] =	vst v2;
	v2 =	vld [tilespmem:s23+$0x90]  }
0x5c: {  	v38 =	vld [tilespmem:s0+$0x110];
	v4 =	vadd.f32 v39, v4  }
0x5d: {  	v40 =	vld [tilespmem:s23+$0x110]  }
0x5e: {  	v10 =	vld [tilespmem:s0+$0x150];
	[tilespmem:s3+$0xFFFFFE10] =	vst v4  }
0x5f: {  	v9 =	vmul.f32 v9, v37;
	v4 =	vld [tilespmem:s0+$0xFFFFFE20]  }
0x60: {  	v6 =	vld [tilespmem:s23+$0xFFFFFE20]  }
0x61: {  	v50 =	vld [tilespmem:s0+$0xFFFFFE60];
	v9 =	vadd.f32 v44, v9  }
0x62: {  	v2 =	vmul.f32 v2, v11;
	v11 =	vld [tilespmem:s0+$0xFFFFFFA0]  }
0x63: {  	[tilespmem:s3+$0x10] =	vst v9;
	v9 =	vld [tilespmem:s23+$0xFFFFFFA0]  }
0x64: {  	v2 =	vadd.f32 v45, v2;
	v47 =	vld [tilespmem:s0+$0x20]  }
0x65: {  	v1 =	vmul.f32 v1, v8;
	v13 =	vmul.f32 v40, v38;
	v8 =	vld [tilespmem:s0+$0x60]  }
0x66: {  	[tilespmem:s3+$0x90] =	vst v2;
	v2 =	vld [tilespmem:s23+$0x20]  }
0x67: {  	v10 =	vadd.f32 v10, v13;
	v4 =	vmul.f32 v6, v4;
	v6 =	vld [tilespmem:s0+$0xFFFFFF60]  }
0x68: {  	v48 =	vld [tilespmem:s0+$0xA0]  }
0x69: {  	[tilespmem:s3+$0x110] =	vst v10;
	v10 =	vld [tilespmem:s23+$0xA0]  }
0x6a: {  	v54 =	vld [tilespmem:s0+$0xE0]  }
0x6b: {  	v49 =	vld [tilespmem:s0+$0x120];
	v4 =	vadd.f32 v50, v4  }
0x6c: {  	v51 =	vld [tilespmem:s23+$0x120]  }
0x6d: {  	v5 =	vmul.f32 v5, v46;
	v1 =	vadd.f32 v52, v1;
	v55 =	vld [tilespmem:s0+$0x160];
	[tilespmem:s3+$0xFFFFFE20] =	vst v4  }
0x6e: {  	v4 =	vld [tilespmem:s0+$0xFFFFFE30]  }
0x6f: {  	[tilespmem:s3+$0xFFFFFEA0] =	vst v1;
	v9 =	vmul.f32 v9, v11;
	v5 =	vadd.f32 v6, v5;
	v1 =	vld [tilespmem:s23+$0xFFFFFE30]  }
0x70: {  	v6 =	vld [tilespmem:s0+$0xFFFFFEB0]  }
0x71: {  	v2 =	vmul.f32 v2, v47;
	v9 =	vadd.f32 v53, v9;
	[tilespmem:s3+$0xFFFFFF20] =	vst v5;
	v5 =	vld [tilespmem:s23+$0xFFFFFEB0]  }
0x72: {  	v56 =	vld [tilespmem:s0+$0xFFFFFF30]  }
0x73: {  	v10 =	vmul.f32 v10, v48;
	v2 =	vadd.f32 v8, v2;
	[tilespmem:s3+$0xFFFFFFA0] =	vst v9;
	v8 =	vld [tilespmem:s23+$0xFFFFFF30]  }
0x74: {  	v9 =	vld [tilespmem:s0+$0xFFFFFFB0]  }
0x75: {  	v11 =	vmul.f32 v51, v49;
	v10 =	vadd.f32 v54, v10;
	v57 =	vld [tilespmem:s23+$0xFFFFFFB0];
	[tilespmem:s3+$0x20] =	vst v2  }
0x76: {  	v58 =	vld [tilespmem:s0+$0x30]  }
0x77: {  	v2 =	vadd.f32 v55, v11;
	[tilespmem:s3+$0xA0] =	vst v10;
	v59 =	vld [tilespmem:s23+$0x30]  }
0x78: {  	v60 =	vld [tilespmem:s0+$0xB0]  }
0x79: {  	[tilespmem:s3+$0x120] =	vst v2;
	v61 =	vld [tilespmem:s23+$0xB0]  }
0x7a: {  	v62 =	vld [tilespmem:s0+$0x130]  }
0x7b: {  	v63 =	vld [tilespmem:s23+$0x130]  }
0x7c: {  	v0 =	vmul.f32 v7, v0;
	v11 =	vld [tilespmem:s0+$0xFFFFFE70]  }
0x7d: {  	v10 =	vld [tilespmem:s0+$0xFFFFFEF0];
	v2 =	vmul.f32 v1, v4  }
0x7e: {  	v0 =	vadd.f32 v3, v0;
	v4 =	vmul.f32 v5, v6;
	v3 =	vmul.f32 v8, v56;
	v8 =	vld [tilespmem:s0+$0xFFFFFF70]  }
0x7f: {  	v5 =	vmul.f32 v57, v9;
	v9 =	vld [tilespmem:s0+$0xFFFFFFF0];
	v6 =	vmul.f32 v59, v58  }
0x80: {  	s16 =	simm.s32 $0x0;
	s17 =	simm.s32 $0x800;
	s28 =	simm.s32 $0x10400;
	[tilespmem:s3+$0x1B0] =	vst v0;
	v7 =	vld [tilespmem:s0+$0x70];
	v1 =	vmul.f32 v61, v60;
	v0 =	vmul.f32 v63, v62  }
.LBB2_2:
0x81: {  	v12 =	vld [tilespmem:s17+$0x180];
	v2 =	vadd.f32 v11, v2;
	s23 =	sadd.s32 $0x400, s23  }
0x82: {  	v11 =	vld [tilespmem:s23+$0x180];
	v4 =	vadd.f32 v10, v4  }
0x83: {  	v10 =	vld [tilespmem:s23+$0xFFFFFE00];
	[tilespmem:s3+$0xFFFFFE30] =	vst v2;
	v2 =	vadd.f32 v8, v3  }
0x84: {  	v3 =	vld [tilespmem:s17+$0x1C0];
	[tilespmem:s3+$0xFFFFFEB0] =	vst v4;
	v4 =	vadd.f32 v9, v5  }
0x85: {  	s16 =	sadd.s32 $0x8, s16;
	v5 =	vld [tilespmem:s17+$0xFFFFFE80];
	[tilespmem:s3+$0xFFFFFF30] =	vst v2;
	v2 =	vadd.f32 v7, v6  }
0x86: {  	p0 =	slt.u32 s16, $0x78;
	v6 =	vld [tilespmem:s23+$0xFFFFFE80];
	[tilespmem:s3+$0xFFFFFFB0] =	vst v4  }
0x87: {  	v4 =	vld [tilespmem:s17+$0xFFFFFF00];
	v7 =	vmul.f32 v11, v12;
	[tilespmem:s3+$0x30] =	vst v2  }
0x88: {  	v2 =	vld [tilespmem:s23+$0xFFFFFF00]  }
0x89: {  	v8 =	vld [tilespmem:s17+$0xFFFFFF80];
	v3 =	vadd.f32 v3, v7  }
0x8a: {  	s3 =	sadd.s32 $0x400, s3;
	v7 =	vld [tilespmem:s23+$0xFFFFFF80]  }
0x8b: {  	v5 =	vmul.f32 v6, v5;
	v6 =	vld [tilespmem:s17+$0x0];
	[tilespmem:s3+$0x180] =	vst v3  }
0x8c: {  	v3 =	vld [tilespmem:s17+$0x190]  }
0x8d: {  	v2 =	vmul.f32 v2, v4;
	v4 =	vld [tilespmem:s23+$0x190]  }
0x8e: {  	v9 =	vld [tilespmem:s23+$0x0]  }
0x8f: {  	v7 =	vmul.f32 v7, v8;
	v8 =	vld [tilespmem:s17+$0x1D0]  }
0x90: {  	v11 =	vld [tilespmem:s17+$0x80]  }
0x91: {  	v12 =	vld [tilespmem:s23+$0x80]  }
0x92: {  	v13 =	vld [tilespmem:s17+$0x100];
	v3 =	vmul.f32 v4, v3  }
0x93: {  	v4 =	vmul.f32 v9, v6;
	v6 =	vld [tilespmem:s23+$0x100]  }
0x94: {  	v9 =	vld [tilespmem:s17+$0xFFFFFE00];
	v3 =	vadd.f32 v8, v3  }
0x95: {  	v8 =	vld [tilespmem:s17+$0xFFFFFE40]  }
0x96: {  	v14 =	vld [tilespmem:s17+$0xFFFFFEC0];
	v11 =	vmul.f32 v12, v11;
	[tilespmem:s3+$0x190] =	vst v3  }
0x97: {  	v3 =	vld [tilespmem:s17+$0x1A0]  }
0x98: {  	v6 =	vmul.f32 v6, v13;
	v12 =	vld [tilespmem:s23+$0x1A0]  }
0x99: {  	v9 =	vmul.f32 v10, v9;
	v10 =	vld [tilespmem:s17+$0xFFFFFF40]  }
0x9a: {  	v13 =	vld [tilespmem:s17+$0x1E0]  }
0x9b: {  	v8 =	vadd.f32 v8, v9;
	v5 =	vadd.f32 v14, v5;
	v9 =	vld [tilespmem:s17+$0xFFFFFFC0]  }
0x9c: {  	v14 =	vld [tilespmem:s17+$0x40]  }
0x9d: {  	[tilespmem:s3+$0xFFFFFE00] =	vst v8;
	v8 =	vld [tilespmem:s17+$0xC0];
	v3 =	vmul.f32 v12, v3  }
0x9e: {  	[tilespmem:s3+$0xFFFFFE80] =	vst v5;
	v2 =	vadd.f32 v10, v2;
	v5 =	vld [tilespmem:s17+$0x140]  }
0x9f: {  	v10 =	vld [tilespmem:s17+$0xFFFFFE10];
	v3 =	vadd.f32 v13, v3  }
0xa0: {  	v12 =	vld [tilespmem:s23+$0xFFFFFE10];
	[tilespmem:s3+$0xFFFFFF00] =	vst v2;
	v2 =	vadd.f32 v9, v7  }
0xa1: {  	v7 =	vld [tilespmem:s17+$0xFFFFFE90];
	v4 =	vadd.f32 v14, v4;
	[tilespmem:s3+$0x1A0] =	vst v3  }
0xa2: {  	[tilespmem:s3+$0xFFFFFF80] =	vst v2;
	v2 =	vadd.f32 v8, v11;
	v3 =	vld [tilespmem:s17+$0x1B0]  }
0xa3: {  	[tilespmem:s3+$0x0] =	vst v4;
	v4 =	vadd.f32 v5, v6;
	v5 =	vld [tilespmem:s23+$0x1B0]  }
0xa4: {  	v6 =	vld [tilespmem:s23+$0xFFFFFE90];
	[tilespmem:s3+$0x80] =	vst v2  }
0xa5: {  	v2 =	vmul.f32 v12, v10;
	[tilespmem:s3+$0x100] =	vst v4;
	v4 =	vld [tilespmem:s17+$0x1F0]  }
0xa6: {  	v8 =	vld [tilespmem:s17+$0xFFFFFF10]  }
0xa7: {  	v9 =	vld [tilespmem:s23+$0xFFFFFF10]  }
0xa8: {  	v10 =	vld [tilespmem:s17+$0xFFFFFF90];
	v3 =	vmul.f32 v5, v3  }
0xa9: {  	v5 =	vmul.f32 v6, v7;
	v6 =	vld [tilespmem:s23+$0xFFFFFF90]  }
0xaa: {  	v7 =	vld [tilespmem:s17+$0x10];
	v3 =	vadd.f32 v4, v3  }
0xab: {  	v4 =	vld [tilespmem:s23+$0x10]  }
0xac: {  	v8 =	vmul.f32 v9, v8;
	v9 =	vld [tilespmem:s17+$0x90];
	[tilespmem:s3+$0x1B0] =	vst v3  }
0xad: {  	v3 =	vld [tilespmem:s23+$0x90]  }
0xae: {  	v6 =	vmul.f32 v6, v10;
	v10 =	vld [tilespmem:s17+$0x110]  }
0xaf: {  	v11 =	vld [tilespmem:s23+$0x110]  }
0xb0: {  	v12 =	vld [tilespmem:s17+$0xFFFFFE50];
	v4 =	vmul.f32 v4, v7  }
0xb1: {  	v7 =	vld [tilespmem:s17+$0xFFFFFED0]  }
0xb2: {  	v13 =	vld [tilespmem:s17+$0xFFFFFF50];
	v3 =	vmul.f32 v3, v9  }
0xb3: {  	v9 =	vld [tilespmem:s17+$0xFFFFFFD0]  }
0xb4: {  	v14 =	vld [tilespmem:s17+$0x50];
	v10 =	vmul.f32 v11, v10  }
0xb5: {  	v2 =	vadd.f32 v12, v2;
	v11 =	vld [tilespmem:s17+$0xD0]  }
0xb6: {  	v5 =	vadd.f32 v7, v5;
	v7 =	vld [tilespmem:s17+$0x150]  }
0xb7: {  	[tilespmem:s3+$0xFFFFFE10] =	vst v2;
	v2 =	vadd.f32 v13, v8;
	v8 =	vld [tilespmem:s0+$0xF0]  }
0xb8: {  	v12 =	vld [tilespmem:s17+$0xFFFFFE20];
	[tilespmem:s3+$0xFFFFFE90] =	vst v5;
	v5 =	vadd.f32 v9, v6  }
0xb9: {  	v6 =	vld [tilespmem:s23+$0xFFFFFE20];
	[tilespmem:s3+$0xFFFFFF10] =	vst v2;
	v2 =	vadd.f32 v14, v4  }
0xba: {  	v4 =	vld [tilespmem:s17+$0xFFFFFEA0];
	[tilespmem:s3+$0xFFFFFF90] =	vst v5;
	v3 =	vadd.f32 v11, v3  }
0xbb: {  	v5 =	vld [tilespmem:s23+$0xFFFFFEA0];
	[tilespmem:s3+$0x10] =	vst v2;
	v2 =	vadd.f32 v7, v10  }
0xbc: {  	v7 =	vld [tilespmem:s17+$0xFFFFFF20];
	[tilespmem:s3+$0x90] =	vst v3;
	v1 =	vadd.f32 v8, v1  }
0xbd: {  	v3 =	vld [tilespmem:s23+$0xFFFFFF20];
	[tilespmem:s3+$0x110] =	vst v2  }
0xbe: {  	v2 =	vmul.f32 v6, v12;
	v6 =	vld [tilespmem:s17+$0xFFFFFFA0];
	[tilespmem:s28+$0xB0] =	vst v1  }
0xbf: {  	v1 =	vld [tilespmem:s23+$0xFFFFFFA0]  }
0xc0: {  	v4 =	vmul.f32 v5, v4;
	v5 =	vld [tilespmem:s17+$0x20]  }
0xc1: {  	v8 =	vld [tilespmem:s23+$0x20]  }
0xc2: {  	v3 =	vmul.f32 v3, v7;
	v7 =	vld [tilespmem:s17+$0xA0]  }
0xc3: {  	v9 =	vld [tilespmem:s23+$0xA0]  }
0xc4: {  	v1 =	vmul.f32 v1, v6;
	v6 =	vld [tilespmem:s17+$0x120]  }
0xc5: {  	v10 =	vld [tilespmem:s23+$0x120]  }
0xc6: {  	v11 =	vld [tilespmem:s17+$0xFFFFFE60];
	v5 =	vmul.f32 v8, v5  }
0xc7: {  	v8 =	vld [tilespmem:s17+$0xFFFFFEE0]  }
0xc8: {  	v12 =	vld [tilespmem:s17+$0xFFFFFF60];
	v7 =	vmul.f32 v9, v7  }
0xc9: {  	v9 =	vld [tilespmem:s17+$0xFFFFFFE0]  }
0xca: {  	v13 =	vld [tilespmem:s17+$0x60];
	v6 =	vmul.f32 v10, v6  }
0xcb: {  	v2 =	vadd.f32 v11, v2;
	v10 =	vld [tilespmem:s17+$0xE0]  }
0xcc: {  	v4 =	vadd.f32 v8, v4;
	v8 =	vld [tilespmem:s17+$0x160]  }
0xcd: {  	[tilespmem:s3+$0xFFFFFE20] =	vst v2;
	v2 =	vadd.f32 v12, v3;
	v3 =	vld [tilespmem:s0+$0x170];
	s0 =	smov.u32 s17  }
0xce: {  	v11 =	vld [tilespmem:s17+$0xFFFFFE30];
	[tilespmem:s3+$0xFFFFFEA0] =	vst v4;
	v1 =	vadd.f32 v9, v1  }
0xcf: {  	v4 =	vld [tilespmem:s23+$0xFFFFFE30];
	[tilespmem:s3+$0xFFFFFF20] =	vst v2;
	v2 =	vadd.f32 v13, v5  }
0xd0: {  	v5 =	vld [tilespmem:s17+$0xFFFFFEB0];
	[tilespmem:s3+$0xFFFFFFA0] =	vst v1;
	v1 =	vadd.f32 v10, v7  }
0xd1: {  	v7 =	vld [tilespmem:s23+$0xFFFFFEB0];
	[tilespmem:s3+$0x20] =	vst v2;
	v2 =	vadd.f32 v8, v6  }
0xd2: {  	v6 =	vld [tilespmem:s17+$0xFFFFFF30];
	[tilespmem:s3+$0xA0] =	vst v1;
	v0 =	vadd.f32 v3, v0  }
0xd3: {  	v1 =	vld [tilespmem:s23+$0xFFFFFF30];
	[tilespmem:s3+$0x120] =	vst v2  }
0xd4: {  	v2 =	vmul.f32 v4, v11;
	v8 =	vld [tilespmem:s17+$0xFFFFFFB0];
	[tilespmem:s28+$0x130] =	vst v0;
	s28 =	smov.u32 s3  }
0xd5: {  	v0 =	vld [tilespmem:s23+$0xFFFFFFB0]  }
0xd6: {  	v4 =	vmul.f32 v7, v5;
	v7 =	vld [tilespmem:s17+$0x30]  }
0xd7: {  	v9 =	vld [tilespmem:s23+$0x30]  }
0xd8: {  	v3 =	vmul.f32 v1, v6;
	v1 =	vld [tilespmem:s17+$0xB0]  }
0xd9: {  	v12 =	vld [tilespmem:s23+$0xB0]  }
0xda: {  	v5 =	vmul.f32 v0, v8;
	v0 =	vld [tilespmem:s17+$0x130]  }
0xdb: {  	v13 =	vld [tilespmem:s23+$0x130]  }
.Ltmp0:
0xdc: {  	v11 =	vld [tilespmem:s17+$0xFFFFFE70];
	v6 =	vmul.f32 v9, v7;
	(pc) =	sbr.rel @p0 .LBB2_2-.Ltmp0, $4  }
0xdd: {  	v10 =	vld [tilespmem:s17+$0xFFFFFEF0]  }
0xde: {  	v8 =	vld [tilespmem:s17+$0xFFFFFF70];
	v1 =	vmul.f32 v12, v1  }
0xdf: {  	v9 =	vld [tilespmem:s17+$0xFFFFFFF0]  }
0xe0: {  	s17 =	sadd.s32 $0x400, s17;
	v7 =	vld [tilespmem:s0+$0x70];
	v0 =	vmul.f32 v13, v0  }
0xe1: {  	v2 =	vadd.f32 v11, v2;
	v11 =	vld [tilespmem:s0+$0xF0]  }
0xe2: {  	v4 =	vadd.f32 v10, v4;
	v10 =	vld [tilespmem:s0+$0x170]  }
0xe3: {  	[tilespmem:s3+$0xFFFFFE30] =	vst v2;
	v2 =	vadd.f32 v8, v3  }
0xe4: {  	[tilespmem:s3+$0xFFFFFEB0] =	vst v4;
	v3 =	vadd.f32 v9, v5  }
0xe5: {  	[tilespmem:s3+$0xFFFFFF30] =	vst v2;
	v2 =	vadd.f32 v7, v6  }
0xe6: {  	[tilespmem:s3+$0xFFFFFFB0] =	vst v3;
	v1 =	vadd.f32 v11, v1  }
0xe7: {  	[tilespmem:s3+$0x30] =	vst v2;
	v0 =	vadd.f32 v10, v0  }
0xe8: {  	[tilespmem:s28+$0xB0] =	vst v1  }
0xe9: {  	[tilespmem:s28+$0x130] =	vst v0  }
0xea: {  	[hbm4b:s7+s2] =	stream.linear.scatter [tilespmem:s22], [sflag:$0x5], $0x4000, $0x38;
	[tilespmem:$0x18200] =	vst v63  }
0xeb: {  	s16 =	simm.s32 $0x200;
	s17 =	simm.s32 $0x100  }
0xec: {  	[tilespmem:s16], [sflag:$0x1] =	stream.indirect.gather [hbm4b:s1+s15], $0x80, s17, s15, $0xb8;
	[tilespmem:$0x18200] =	vst v63  }
0xed: {  	s23 =	simm.s32 $0x8200  }
0xee: {  	[tilespmem:s23], [sflag:$0x3] =	stream.linear.gather [hbm4b:s8+s2], $0x4000, $0x38;
	[tilespmem:$0x18200] =	vst v63  }
0xef: {  	_ =	swait.ge [sflag:s24], $0x4000  }
0xf0: {  	[sflag:s24] =	ssyncset.done $0x0  }
0xf1: {  	[sflag:s24] =	ssyncadd.s32 $0xFFFFC000  }
0xf2: {  	_ =	swait.ge [sflag:s25], $0x4000  }
0xf3: {  	[sflag:s25] =	ssyncset.done $0x0  }
0xf4: {  	s0 =	simm.s32 $0x4400;
	[sflag:s25] =	ssyncadd.s32 $0xFFFFC000  }
0xf5: {  	s23 =	simm.s32 $0xC400;
	v0 =	vld [tilespmem:s0+$0x180]  }
0xf6: {  	v1 =	vld [tilespmem:s23+$0x180]  }
0xf7: {  	v2 =	vld [tilespmem:s23+$0xFFFFFE00]  }
0xf8: {  	v3 =	vld [tilespmem:s0+$0x1C0]  }
0xf9: {  	v4 =	vld [tilespmem:s0+$0xFFFFFE80]  }
0xfa: {  	v5 =	vld [tilespmem:s23+$0xFFFFFE80]  }
0xfb: {  	v6 =	vld [tilespmem:s0+$0xFFFFFF00]  }
0xfc: {  	v7 =	vld [tilespmem:s0+$0xFFFFFF80]  }
0xfd: {  	v8 =	vld [tilespmem:s0+$0x0]  }
0xfe: {  	v10 =	vld [tilespmem:s23+$0x0]  }
0xff: {  	v12 =	vld [tilespmem:s0+$0x80]  }
0x100: {  	v13 =	vld [tilespmem:s23+$0x80]  }
0x101: {  	v14 =	vld [tilespmem:s0+$0x100]  }
0x102: {  	v15 =	vld [tilespmem:s0+$0xFFFFFE00]  }
0x103: {  	v16 =	vld [tilespmem:s0+$0xFFFFFEC0]  }
0x104: {  	v18 =	vld [tilespmem:s0+$0xFFFFFF40];
	v0 =	vmul.f32 v1, v0  }
0x105: {  	v19 =	vld [tilespmem:s0+$0xFFFFFFC0]  }
0x106: {  	v1 =	vld [tilespmem:s23+$0xFFFFFF00];
	v0 =	vadd.f32 v3, v0  }
0x107: {  	s3 =	simm.s32 $0x14400;
	v4 =	vmul.f32 v5, v4;
	v5 =	vld [tilespmem:s0+$0x40]  }
0x108: {  	v3 =	vld [tilespmem:s23+$0xFFFFFF80];
	[tilespmem:s3+$0x180] =	vst v0  }
0x109: {  	v4 =	vadd.f32 v16, v4;
	v0 =	vld [tilespmem:s0+$0x190]  }
0x10a: {  	v8 =	vmul.f32 v10, v8;
	v9 =	vld [tilespmem:s23+$0x190]  }
0x10b: {  	[tilespmem:s3+$0xFFFFFE80] =	vst v4;
	v11 =	vld [tilespmem:s0+$0x1D0]  }
0x10c: {  	v1 =	vmul.f32 v1, v6;
	v6 =	vld [tilespmem:s0+$0xFFFFFE90];
	v5 =	vadd.f32 v5, v8  }
0x10d: {  	v36 =	vld [tilespmem:s23+$0xFFFFFE90]  }
0x10e: {  	v41 =	vld [tilespmem:s0+$0xFFFFFED0];
	[tilespmem:s3+$0x0] =	vst v5  }
0x10f: {  	v1 =	vadd.f32 v18, v1;
	v37 =	vld [tilespmem:s0+$0x10]  }
0x110: {  	v3 =	vmul.f32 v3, v7;
	v44 =	vld [tilespmem:s0+$0x50]  }
0x111: {  	[tilespmem:s3+$0xFFFFFF00] =	vst v1;
	v0 =	vmul.f32 v9, v0;
	v9 =	vld [tilespmem:s23+$0x100]  }
0x112: {  	v1 =	vadd.f32 v19, v3;
	v10 =	vld [tilespmem:s0+$0xFFFFFF10]  }
0x113: {  	v42 =	vld [tilespmem:s0+$0xFFFFFF50]  }
0x114: {  	[tilespmem:s3+$0xFFFFFF80] =	vst v1;
	v1 =	vld [tilespmem:s23+$0xFFFFFF10]  }
0x115: {  	v0 =	vadd.f32 v11, v0;
	v11 =	vld [tilespmem:s0+$0xFFFFFE40]  }
0x116: {  	v8 =	vld [tilespmem:s0+$0xFFFFFF90]  }
0x117: {  	v6 =	vmul.f32 v36, v6;
	v5 =	vld [tilespmem:s23+$0xFFFFFF90]  }
0x118: {  	v43 =	vld [tilespmem:s0+$0xFFFFFFD0];
	[tilespmem:s3+$0x190] =	vst v0  }
0x119: {  	v6 =	vadd.f32 v41, v6;
	v0 =	vld [tilespmem:s0+$0x1A0]  }
0x11a: {  	v17 =	vld [tilespmem:s23+$0x1A0]  }
0x11b: {  	v2 =	vmul.f32 v2, v15;
	[tilespmem:s3+$0xFFFFFE90] =	vst v6;
	v34 =	vld [tilespmem:s0+$0x1E0]  }
0x11c: {  	v52 =	vld [tilespmem:s0+$0xFFFFFEE0]  }
0x11d: {  	v2 =	vadd.f32 v11, v2;
	v11 =	vld [tilespmem:s0+$0xC0]  }
0x11e: {  	v5 =	vmul.f32 v5, v8;
	v8 =	vld [tilespmem:s0+$0xFFFFFEA0]  }
0x11f: {  	v1 =	vmul.f32 v1, v10;
	[tilespmem:s3+$0xFFFFFE00] =	vst v2;
	v2 =	vld [tilespmem:s0+$0x140]  }
0x120: {  	v35 =	vld [tilespmem:s0+$0xFFFFFE10]  }
0x121: {  	v1 =	vadd.f32 v42, v1;
	v4 =	vld [tilespmem:s23+$0xFFFFFE10]  }
0x122: {  	v39 =	vld [tilespmem:s0+$0xFFFFFE50]  }
0x123: {  	v5 =	vadd.f32 v43, v5;
	v0 =	vmul.f32 v17, v0;
	[tilespmem:s3+$0xFFFFFF10] =	vst v1;
	v1 =	vld [tilespmem:s23+$0xFFFFFEA0]  }
0x124: {  	v46 =	vld [tilespmem:s0+$0xFFFFFF20]  }
0x125: {  	v9 =	vmul.f32 v9, v14;
	[tilespmem:s3+$0xFFFFFF90] =	vst v5;
	v5 =	vld [tilespmem:s23+$0xFFFFFF20];
	v0 =	vadd.f32 v34, v0  }
0x126: {  	v12 =	vmul.f32 v13, v12;
	v53 =	vld [tilespmem:s0+$0xFFFFFFE0]  }
0x127: {  	[tilespmem:s3+$0x1A0] =	vst v0;
	v2 =	vadd.f32 v2, v9;
	v9 =	vld [tilespmem:s23+$0x10]  }
0x128: {  	v11 =	vadd.f32 v11, v12;
	v0 =	vld [tilespmem:s0+$0x1B0]  }
0x129: {  	v7 =	vld [tilespmem:s23+$0x1B0]  }
0x12a: {  	[tilespmem:s3+$0x80] =	vst v11;
	v3 =	vld [tilespmem:s0+$0x1F0]  }
0x12b: {  	v11 =	vld [tilespmem:s0+$0x90]  }
0x12c: {  	v4 =	vmul.f32 v4, v35;
	v45 =	vld [tilespmem:s0+$0xD0]  }
0x12d: {  	[tilespmem:s3+$0x100] =	vst v2;
	v2 =	vld [tilespmem:s23+$0x90]  }
0x12e: {  	v38 =	vld [tilespmem:s0+$0x110];
	v4 =	vadd.f32 v39, v4  }
0x12f: {  	v40 =	vld [tilespmem:s23+$0x110]  }
0x130: {  	v10 =	vld [tilespmem:s0+$0x150];
	[tilespmem:s3+$0xFFFFFE10] =	vst v4  }
0x131: {  	v9 =	vmul.f32 v9, v37;
	v4 =	vld [tilespmem:s0+$0xFFFFFE20]  }
0x132: {  	v6 =	vld [tilespmem:s23+$0xFFFFFE20]  }
0x133: {  	v50 =	vld [tilespmem:s0+$0xFFFFFE60];
	v9 =	vadd.f32 v44, v9  }
0x134: {  	v2 =	vmul.f32 v2, v11;
	v11 =	vld [tilespmem:s0+$0xFFFFFFA0]  }
0x135: {  	[tilespmem:s3+$0x10] =	vst v9;
	v9 =	vld [tilespmem:s23+$0xFFFFFFA0]  }
0x136: {  	v2 =	vadd.f32 v45, v2;
	v47 =	vld [tilespmem:s0+$0x20]  }
0x137: {  	v1 =	vmul.f32 v1, v8;
	v13 =	vmul.f32 v40, v38;
	v8 =	vld [tilespmem:s0+$0x60]  }
0x138: {  	[tilespmem:s3+$0x90] =	vst v2;
	v2 =	vld [tilespmem:s23+$0x20]  }
0x139: {  	v10 =	vadd.f32 v10, v13;
	v4 =	vmul.f32 v6, v4;
	v6 =	vld [tilespmem:s0+$0xFFFFFF60]  }
0x13a: {  	v48 =	vld [tilespmem:s0+$0xA0]  }
0x13b: {  	[tilespmem:s3+$0x110] =	vst v10;
	v10 =	vld [tilespmem:s23+$0xA0]  }
0x13c: {  	v54 =	vld [tilespmem:s0+$0xE0]  }
0x13d: {  	v49 =	vld [tilespmem:s0+$0x120];
	v4 =	vadd.f32 v50, v4  }
0x13e: {  	v51 =	vld [tilespmem:s23+$0x120]  }
0x13f: {  	v5 =	vmul.f32 v5, v46;
	v1 =	vadd.f32 v52, v1;
	v55 =	vld [tilespmem:s0+$0x160];
	[tilespmem:s3+$0xFFFFFE20] =	vst v4  }
0x140: {  	v4 =	vld [tilespmem:s0+$0xFFFFFE30]  }
0x141: {  	[tilespmem:s3+$0xFFFFFEA0] =	vst v1;
	v9 =	vmul.f32 v9, v11;
	v5 =	vadd.f32 v6, v5;
	v1 =	vld [tilespmem:s23+$0xFFFFFE30]  }
0x142: {  	v6 =	vld [tilespmem:s0+$0xFFFFFEB0]  }
0x143: {  	v2 =	vmul.f32 v2, v47;
	v9 =	vadd.f32 v53, v9;
	[tilespmem:s3+$0xFFFFFF20] =	vst v5;
	v5 =	vld [tilespmem:s23+$0xFFFFFEB0]  }
0x144: {  	v56 =	vld [tilespmem:s0+$0xFFFFFF30]  }
0x145: {  	v10 =	vmul.f32 v10, v48;
	v2 =	vadd.f32 v8, v2;
	[tilespmem:s3+$0xFFFFFFA0] =	vst v9;
	v8 =	vld [tilespmem:s23+$0xFFFFFF30]  }
0x146: {  	v9 =	vld [tilespmem:s0+$0xFFFFFFB0]  }
0x147: {  	v11 =	vmul.f32 v51, v49;
	v10 =	vadd.f32 v54, v10;
	v57 =	vld [tilespmem:s23+$0xFFFFFFB0];
	[tilespmem:s3+$0x20] =	vst v2  }
0x148: {  	v58 =	vld [tilespmem:s0+$0x30]  }
0x149: {  	v2 =	vadd.f32 v55, v11;
	[tilespmem:s3+$0xA0] =	vst v10;
	v59 =	vld [tilespmem:s23+$0x30]  }
0x14a: {  	v60 =	vld [tilespmem:s0+$0xB0]  }
0x14b: {  	[tilespmem:s3+$0x120] =	vst v2;
	v61 =	vld [tilespmem:s23+$0xB0]  }
0x14c: {  	v62 =	vld [tilespmem:s0+$0x130]  }
0x14d: {  	v63 =	vld [tilespmem:s23+$0x130]  }
0x14e: {  	v0 =	vmul.f32 v7, v0;
	v11 =	vld [tilespmem:s0+$0xFFFFFE70]  }
0x14f: {  	v10 =	vld [tilespmem:s0+$0xFFFFFEF0];
	v2 =	vmul.f32 v1, v4  }
0x150: {  	v0 =	vadd.f32 v3, v0;
	v4 =	vmul.f32 v5, v6;
	v3 =	vmul.f32 v8, v56;
	v8 =	vld [tilespmem:s0+$0xFFFFFF70]  }
0x151: {  	v5 =	vmul.f32 v57, v9;
	v9 =	vld [tilespmem:s0+$0xFFFFFFF0];
	v6 =	vmul.f32 v59, v58  }
0x152: {  	s28 =	simm.s32 $0x14400;
	s16 =	simm.s32 $0x0;
	s17 =	simm.s32 $0x4800;
	[tilespmem:s3+$0x1B0] =	vst v0;
	v7 =	vld [tilespmem:s0+$0x70];
	v1 =	vmul.f32 v61, v60;
	v0 =	vmul.f32 v63, v62  }
.LBB2_4:
0x153: {  	v12 =	vld [tilespmem:s17+$0x180];
	v2 =	vadd.f32 v11, v2;
	s23 =	sadd.s32 $0x400, s23  }
0x154: {  	v11 =	vld [tilespmem:s23+$0x180];
	v4 =	vadd.f32 v10, v4  }
0x155: {  	v10 =	vld [tilespmem:s23+$0xFFFFFE00];
	[tilespmem:s3+$0xFFFFFE30] =	vst v2;
	v2 =	vadd.f32 v8, v3  }
0x156: {  	v3 =	vld [tilespmem:s17+$0x1C0];
	[tilespmem:s3+$0xFFFFFEB0] =	vst v4;
	v4 =	vadd.f32 v9, v5  }
0x157: {  	s16 =	sadd.s32 $0x8, s16;
	v5 =	vld [tilespmem:s17+$0xFFFFFE80];
	[tilespmem:s3+$0xFFFFFF30] =	vst v2;
	v2 =	vadd.f32 v7, v6  }
0x158: {  	p0 =	slt.u32 s16, $0x78;
	v6 =	vld [tilespmem:s23+$0xFFFFFE80];
	[tilespmem:s3+$0xFFFFFFB0] =	vst v4  }
0x159: {  	v4 =	vld [tilespmem:s17+$0xFFFFFF00];
	v7 =	vmul.f32 v11, v12;
	[tilespmem:s3+$0x30] =	vst v2  }
0x15a: {  	v2 =	vld [tilespmem:s23+$0xFFFFFF00]  }
0x15b: {  	v8 =	vld [tilespmem:s17+$0xFFFFFF80];
	v3 =	vadd.f32 v3, v7  }
0x15c: {  	s3 =	sadd.s32 $0x400, s3;
	v7 =	vld [tilespmem:s23+$0xFFFFFF80]  }
0x15d: {  	v5 =	vmul.f32 v6, v5;
	v6 =	vld [tilespmem:s17+$0x0];
	[tilespmem:s3+$0x180] =	vst v3  }
0x15e: {  	v3 =	vld [tilespmem:s17+$0x190]  }
0x15f: {  	v2 =	vmul.f32 v2, v4;
	v4 =	vld [tilespmem:s23+$0x190]  }
0x160: {  	v9 =	vld [tilespmem:s23+$0x0]  }
0x161: {  	v7 =	vmul.f32 v7, v8;
	v8 =	vld [tilespmem:s17+$0x1D0]  }
0x162: {  	v11 =	vld [tilespmem:s17+$0x80]  }
0x163: {  	v12 =	vld [tilespmem:s23+$0x80]  }
0x164: {  	v13 =	vld [tilespmem:s17+$0x100];
	v3 =	vmul.f32 v4, v3  }
0x165: {  	v4 =	vmul.f32 v9, v6;
	v6 =	vld [tilespmem:s23+$0x100]  }
0x166: {  	v9 =	vld [tilespmem:s17+$0xFFFFFE00];
	v3 =	vadd.f32 v8, v3  }
0x167: {  	v8 =	vld [tilespmem:s17+$0xFFFFFE40]  }
0x168: {  	v14 =	vld [tilespmem:s17+$0xFFFFFEC0];
	v11 =	vmul.f32 v12, v11;
	[tilespmem:s3+$0x190] =	vst v3  }
0x169: {  	v3 =	vld [tilespmem:s17+$0x1A0]  }
0x16a: {  	v6 =	vmul.f32 v6, v13;
	v12 =	vld [tilespmem:s23+$0x1A0]  }
0x16b: {  	v9 =	vmul.f32 v10, v9;
	v10 =	vld [tilespmem:s17+$0xFFFFFF40]  }
0x16c: {  	v13 =	vld [tilespmem:s17+$0x1E0]  }
0x16d: {  	v8 =	vadd.f32 v8, v9;
	v5 =	vadd.f32 v14, v5;
	v9 =	vld [tilespmem:s17+$0xFFFFFFC0]  }
0x16e: {  	v14 =	vld [tilespmem:s17+$0x40]  }
0x16f: {  	[tilespmem:s3+$0xFFFFFE00] =	vst v8;
	v8 =	vld [tilespmem:s17+$0xC0];
	v3 =	vmul.f32 v12, v3  }
0x170: {  	[tilespmem:s3+$0xFFFFFE80] =	vst v5;
	v2 =	vadd.f32 v10, v2;
	v5 =	vld [tilespmem:s17+$0x140]  }
0x171: {  	v10 =	vld [tilespmem:s17+$0xFFFFFE10];
	v3 =	vadd.f32 v13, v3  }
0x172: {  	v12 =	vld [tilespmem:s23+$0xFFFFFE10];
	[tilespmem:s3+$0xFFFFFF00] =	vst v2;
	v2 =	vadd.f32 v9, v7  }
0x173: {  	v7 =	vld [tilespmem:s17+$0xFFFFFE90];
	v4 =	vadd.f32 v14, v4;
	[tilespmem:s3+$0x1A0] =	vst v3  }
0x174: {  	[tilespmem:s3+$0xFFFFFF80] =	vst v2;
	v2 =	vadd.f32 v8, v11;
	v3 =	vld [tilespmem:s17+$0x1B0]  }
0x175: {  	[tilespmem:s3+$0x0] =	vst v4;
	v4 =	vadd.f32 v5, v6;
	v5 =	vld [tilespmem:s23+$0x1B0]  }
0x176: {  	v6 =	vld [tilespmem:s23+$0xFFFFFE90];
	[tilespmem:s3+$0x80] =	vst v2  }
0x177: {  	v2 =	vmul.f32 v12, v10;
	[tilespmem:s3+$0x100] =	vst v4;
	v4 =	vld [tilespmem:s17+$0x1F0]  }
0x178: {  	v8 =	vld [tilespmem:s17+$0xFFFFFF10]  }
0x179: {  	v9 =	vld [tilespmem:s23+$0xFFFFFF10]  }
0x17a: {  	v10 =	vld [tilespmem:s17+$0xFFFFFF90];
	v3 =	vmul.f32 v5, v3  }
0x17b: {  	v5 =	vmul.f32 v6, v7;
	v6 =	vld [tilespmem:s23+$0xFFFFFF90]  }
0x17c: {  	v7 =	vld [tilespmem:s17+$0x10];
	v3 =	vadd.f32 v4, v3  }
0x17d: {  	v4 =	vld [tilespmem:s23+$0x10]  }
0x17e: {  	v8 =	vmul.f32 v9, v8;
	v9 =	vld [tilespmem:s17+$0x90];
	[tilespmem:s3+$0x1B0] =	vst v3  }
0x17f: {  	v3 =	vld [tilespmem:s23+$0x90]  }
0x180: {  	v6 =	vmul.f32 v6, v10;
	v10 =	vld [tilespmem:s17+$0x110]  }
0x181: {  	v11 =	vld [tilespmem:s23+$0x110]  }
0x182: {  	v12 =	vld [tilespmem:s17+$0xFFFFFE50];
	v4 =	vmul.f32 v4, v7  }
0x183: {  	v7 =	vld [tilespmem:s17+$0xFFFFFED0]  }
0x184: {  	v13 =	vld [tilespmem:s17+$0xFFFFFF50];
	v3 =	vmul.f32 v3, v9  }
0x185: {  	v9 =	vld [tilespmem:s17+$0xFFFFFFD0]  }
0x186: {  	v14 =	vld [tilespmem:s17+$0x50];
	v10 =	vmul.f32 v11, v10  }
0x187: {  	v2 =	vadd.f32 v12, v2;
	v11 =	vld [tilespmem:s17+$0xD0]  }
0x188: {  	v5 =	vadd.f32 v7, v5;
	v7 =	vld [tilespmem:s17+$0x150]  }
0x189: {  	[tilespmem:s3+$0xFFFFFE10] =	vst v2;
	v2 =	vadd.f32 v13, v8;
	v8 =	vld [tilespmem:s0+$0xF0]  }
0x18a: {  	v12 =	vld [tilespmem:s17+$0xFFFFFE20];
	[tilespmem:s3+$0xFFFFFE90] =	vst v5;
	v5 =	vadd.f32 v9, v6  }
0x18b: {  	v6 =	vld [tilespmem:s23+$0xFFFFFE20];
	[tilespmem:s3+$0xFFFFFF10] =	vst v2;
	v2 =	vadd.f32 v14, v4  }
0x18c: {  	v4 =	vld [tilespmem:s17+$0xFFFFFEA0];
	[tilespmem:s3+$0xFFFFFF90] =	vst v5;
	v3 =	vadd.f32 v11, v3  }
0x18d: {  	v5 =	vld [tilespmem:s23+$0xFFFFFEA0];
	[tilespmem:s3+$0x10] =	vst v2;
	v2 =	vadd.f32 v7, v10  }
0x18e: {  	v7 =	vld [tilespmem:s17+$0xFFFFFF20];
	[tilespmem:s3+$0x90] =	vst v3;
	v1 =	vadd.f32 v8, v1  }
0x18f: {  	v3 =	vld [tilespmem:s23+$0xFFFFFF20];
	[tilespmem:s3+$0x110] =	vst v2  }
0x190: {  	v2 =	vmul.f32 v6, v12;
	v6 =	vld [tilespmem:s17+$0xFFFFFFA0];
	[tilespmem:s28+$0xB0] =	vst v1  }
0x191: {  	v1 =	vld [tilespmem:s23+$0xFFFFFFA0]  }
0x192: {  	v4 =	vmul.f32 v5, v4;
	v5 =	vld [tilespmem:s17+$0x20]  }
0x193: {  	v8 =	vld [tilespmem:s23+$0x20]  }
0x194: {  	v3 =	vmul.f32 v3, v7;
	v7 =	vld [tilespmem:s17+$0xA0]  }
0x195: {  	v9 =	vld [tilespmem:s23+$0xA0]  }
0x196: {  	v1 =	vmul.f32 v1, v6;
	v6 =	vld [tilespmem:s17+$0x120]  }
0x197: {  	v10 =	vld [tilespmem:s23+$0x120]  }
0x198: {  	v11 =	vld [tilespmem:s17+$0xFFFFFE60];
	v5 =	vmul.f32 v8, v5  }
0x199: {  	v8 =	vld [tilespmem:s17+$0xFFFFFEE0]  }
0x19a: {  	v12 =	vld [tilespmem:s17+$0xFFFFFF60];
	v7 =	vmul.f32 v9, v7  }
0x19b: {  	v9 =	vld [tilespmem:s17+$0xFFFFFFE0]  }
0x19c: {  	v13 =	vld [tilespmem:s17+$0x60];
	v6 =	vmul.f32 v10, v6  }
0x19d: {  	v2 =	vadd.f32 v11, v2;
	v10 =	vld [tilespmem:s17+$0xE0]  }
0x19e: {  	v4 =	vadd.f32 v8, v4;
	v8 =	vld [tilespmem:s17+$0x160]  }
0x19f: {  	[tilespmem:s3+$0xFFFFFE20] =	vst v2;
	v2 =	vadd.f32 v12, v3;
	v3 =	vld [tilespmem:s0+$0x170];
	s0 =	smov.u32 s17  }
0x1a0: {  	v11 =	vld [tilespmem:s17+$0xFFFFFE30];
	[tilespmem:s3+$0xFFFFFEA0] =	vst v4;
	v1 =	vadd.f32 v9, v1  }
0x1a1: {  	v4 =	vld [tilespmem:s23+$0xFFFFFE30];
	[tilespmem:s3+$0xFFFFFF20] =	vst v2;
	v2 =	vadd.f32 v13, v5  }
0x1a2: {  	v5 =	vld [tilespmem:s17+$0xFFFFFEB0];
	[tilespmem:s3+$0xFFFFFFA0] =	vst v1;
	v1 =	vadd.f32 v10, v7  }
0x1a3: {  	v7 =	vld [tilespmem:s23+$0xFFFFFEB0];
	[tilespmem:s3+$0x20] =	vst v2;
	v2 =	vadd.f32 v8, v6  }
0x1a4: {  	v6 =	vld [tilespmem:s17+$0xFFFFFF30];
	[tilespmem:s3+$0xA0] =	vst v1;
	v0 =	vadd.f32 v3, v0  }
0x1a5: {  	v1 =	vld [tilespmem:s23+$0xFFFFFF30];
	[tilespmem:s3+$0x120] =	vst v2  }
0x1a6: {  	v2 =	vmul.f32 v4, v11;
	v8 =	vld [tilespmem:s17+$0xFFFFFFB0];
	[tilespmem:s28+$0x130] =	vst v0;
	s28 =	smov.u32 s3  }
0x1a7: {  	v0 =	vld [tilespmem:s23+$0xFFFFFFB0]  }
0x1a8: {  	v4 =	vmul.f32 v7, v5;
	v7 =	vld [tilespmem:s17+$0x30]  }
0x1a9: {  	v9 =	vld [tilespmem:s23+$0x30]  }
0x1aa: {  	v3 =	vmul.f32 v1, v6;
	v1 =	vld [tilespmem:s17+$0xB0]  }
0x1ab: {  	v12 =	vld [tilespmem:s23+$0xB0]  }
0x1ac: {  	v5 =	vmul.f32 v0, v8;
	v0 =	vld [tilespmem:s17+$0x130]  }
0x1ad: {  	v13 =	vld [tilespmem:s23+$0x130]  }
.Ltmp1:
0x1ae: {  	v11 =	vld [tilespmem:s17+$0xFFFFFE70];
	v6 =	vmul.f32 v9, v7;
	(pc) =	sbr.rel @p0 .LBB2_4-.Ltmp1, $4  }
0x1af: {  	v10 =	vld [tilespmem:s17+$0xFFFFFEF0]  }
0x1b0: {  	v8 =	vld [tilespmem:s17+$0xFFFFFF70];
	v1 =	vmul.f32 v12, v1  }
0x1b1: {  	v9 =	vld [tilespmem:s17+$0xFFFFFFF0]  }
0x1b2: {  	s17 =	sadd.s32 $0x400, s17;
	v7 =	vld [tilespmem:s0+$0x70];
	v0 =	vmul.f32 v13, v0  }
0x1b3: {  	v2 =	vadd.f32 v11, v2;
	v11 =	vld [tilespmem:s0+$0xF0]  }
0x1b4: {  	v4 =	vadd.f32 v10, v4;
	v10 =	vld [tilespmem:s0+$0x170]  }
0x1b5: {  	[tilespmem:s3+$0xFFFFFE30] =	vst v2;
	v2 =	vadd.f32 v8, v3  }
0x1b6: {  	[tilespmem:s3+$0xFFFFFEB0] =	vst v4;
	v3 =	vadd.f32 v9, v5  }
0x1b7: {  	[tilespmem:s3+$0xFFFFFF30] =	vst v2;
	v2 =	vadd.f32 v7, v6  }
0x1b8: {  	[tilespmem:s3+$0xFFFFFFB0] =	vst v3;
	v1 =	vadd.f32 v11, v1  }
0x1b9: {  	[tilespmem:s3+$0x30] =	vst v2;
	v0 =	vadd.f32 v10, v0  }
0x1ba: {  	[tilespmem:s28+$0xB0] =	vst v1  }
0x1bb: {  	[tilespmem:s28+$0x130] =	vst v0  }
0x1bc: {  	[hbm4b:s9+s2] =	stream.linear.scatter [tilespmem:s26], [sflag:$0x6], $0x4000, $0x38;
	[tilespmem:$0x18200] =	vst v63  }
0x1bd: {  	s23 =	simm.s32 $0x180  }
0x1be: {  	[tilespmem:s18], [sflag:$0x2] =	stream.indirect.gather [hbm4b:s1+s15], $0x80, s23, s15, $0xb8;
	[tilespmem:$0x18200] =	vst v63  }
0x1bf: {  	_ = 	snop  }
0x1c0: {  	[tilespmem:s19], [sflag:$0x4] =	stream.linear.gather [hbm4b:s10+s2], $0x4000, $0x38;
	[tilespmem:$0x18200] =	vst v63  }
0x1c1: {  	_ =	swait.ge [sflag:s20], $0x4000  }
0x1c2: {  	[sflag:s20] =	ssyncset.done $0x0  }
0x1c3: {  	[sflag:s20] =	ssyncadd.s32 $0xFFFFC000  }
0x1c4: {  	_ =	swait.ge [sflag:s21], $0x4000  }
0x1c5: {  	[sflag:s21] =	ssyncset.done $0x0  }
0x1c6: {  	[sflag:s21] =	ssyncadd.s32 $0xFFFFC000  }
0x1c7: {  	_ =	swait.ge [sflag:s29], $0x4000  }
0x1c8: {  	[sflag:s29] =	ssyncset.done $0x0  }
0x1c9: {  	s0 =	simm.s32 $0x400;
	[sflag:s29] =	ssyncadd.s32 $0xFFFFC000  }
0x1ca: {  	s23 =	simm.s32 $0x8400;
	v0 =	vld [tilespmem:s0+$0x180]  }
0x1cb: {  	v1 =	vld [tilespmem:s23+$0x180]  }
0x1cc: {  	v2 =	vld [tilespmem:s23+$0xFFFFFE00]  }
0x1cd: {  	v3 =	vld [tilespmem:s0+$0x1C0]  }
0x1ce: {  	v4 =	vld [tilespmem:s0+$0xFFFFFE80]  }
0x1cf: {  	v5 =	vld [tilespmem:s23+$0xFFFFFE80]  }
0x1d0: {  	v6 =	vld [tilespmem:s0+$0xFFFFFF00]  }
0x1d1: {  	v7 =	vld [tilespmem:s0+$0xFFFFFF80]  }
0x1d2: {  	v8 =	vld [tilespmem:s0+$0x0]  }
0x1d3: {  	v10 =	vld [tilespmem:s23+$0x0]  }
0x1d4: {  	v12 =	vld [tilespmem:s0+$0x80]  }
0x1d5: {  	v13 =	vld [tilespmem:s23+$0x80]  }
0x1d6: {  	v14 =	vld [tilespmem:s0+$0x100]  }
0x1d7: {  	v15 =	vld [tilespmem:s0+$0xFFFFFE00]  }
0x1d8: {  	v16 =	vld [tilespmem:s0+$0xFFFFFEC0]  }
0x1d9: {  	v18 =	vld [tilespmem:s0+$0xFFFFFF40];
	v0 =	vmul.f32 v1, v0  }
0x1da: {  	v19 =	vld [tilespmem:s0+$0xFFFFFFC0]  }
0x1db: {  	v1 =	vld [tilespmem:s23+$0xFFFFFF00];
	v0 =	vadd.f32 v3, v0  }
0x1dc: {  	s3 =	simm.s32 $0x10400;
	v4 =	vmul.f32 v5, v4;
	v5 =	vld [tilespmem:s0+$0x40]  }
0x1dd: {  	v3 =	vld [tilespmem:s23+$0xFFFFFF80];
	[tilespmem:s3+$0x180] =	vst v0  }
0x1de: {  	v4 =	vadd.f32 v16, v4;
	v0 =	vld [tilespmem:s0+$0x190]  }
0x1df: {  	v8 =	vmul.f32 v10, v8;
	v9 =	vld [tilespmem:s23+$0x190]  }
0x1e0: {  	[tilespmem:s3+$0xFFFFFE80] =	vst v4;
	v11 =	vld [tilespmem:s0+$0x1D0]  }
0x1e1: {  	v1 =	vmul.f32 v1, v6;
	v6 =	vld [tilespmem:s0+$0xFFFFFE90];
	v5 =	vadd.f32 v5, v8  }
0x1e2: {  	v36 =	vld [tilespmem:s23+$0xFFFFFE90]  }
0x1e3: {  	v41 =	vld [tilespmem:s0+$0xFFFFFED0];
	[tilespmem:s3+$0x0] =	vst v5  }
0x1e4: {  	v1 =	vadd.f32 v18, v1;
	v37 =	vld [tilespmem:s0+$0x10]  }
0x1e5: {  	v3 =	vmul.f32 v3, v7;
	v44 =	vld [tilespmem:s0+$0x50]  }
0x1e6: {  	[tilespmem:s3+$0xFFFFFF00] =	vst v1;
	v0 =	vmul.f32 v9, v0;
	v9 =	vld [tilespmem:s23+$0x100]  }
0x1e7: {  	v1 =	vadd.f32 v19, v3;
	v10 =	vld [tilespmem:s0+$0xFFFFFF10]  }
0x1e8: {  	v42 =	vld [tilespmem:s0+$0xFFFFFF50]  }
0x1e9: {  	[tilespmem:s3+$0xFFFFFF80] =	vst v1;
	v1 =	vld [tilespmem:s23+$0xFFFFFF10]  }
0x1ea: {  	v0 =	vadd.f32 v11, v0;
	v11 =	vld [tilespmem:s0+$0xFFFFFE40]  }
0x1eb: {  	v8 =	vld [tilespmem:s0+$0xFFFFFF90]  }
0x1ec: {  	v6 =	vmul.f32 v36, v6;
	v5 =	vld [tilespmem:s23+$0xFFFFFF90]  }
0x1ed: {  	v43 =	vld [tilespmem:s0+$0xFFFFFFD0];
	[tilespmem:s3+$0x190] =	vst v0  }
0x1ee: {  	v6 =	vadd.f32 v41, v6;
	v0 =	vld [tilespmem:s0+$0x1A0]  }
0x1ef: {  	v17 =	vld [tilespmem:s23+$0x1A0]  }
0x1f0: {  	v2 =	vmul.f32 v2, v15;
	[tilespmem:s3+$0xFFFFFE90] =	vst v6;
	v34 =	vld [tilespmem:s0+$0x1E0]  }
0x1f1: {  	v52 =	vld [tilespmem:s0+$0xFFFFFEE0]  }
0x1f2: {  	v2 =	vadd.f32 v11, v2;
	v11 =	vld [tilespmem:s0+$0xC0]  }
0x1f3: {  	v5 =	vmul.f32 v5, v8;
	v8 =	vld [tilespmem:s0+$0xFFFFFEA0]  }
0x1f4: {  	v1 =	vmul.f32 v1, v10;
	[tilespmem:s3+$0xFFFFFE00] =	vst v2;
	v2 =	vld [tilespmem:s0+$0x140]  }
0x1f5: {  	v35 =	vld [tilespmem:s0+$0xFFFFFE10]  }
0x1f6: {  	v1 =	vadd.f32 v42, v1;
	v4 =	vld [tilespmem:s23+$0xFFFFFE10]  }
0x1f7: {  	v39 =	vld [tilespmem:s0+$0xFFFFFE50]  }
0x1f8: {  	v5 =	vadd.f32 v43, v5;
	v0 =	vmul.f32 v17, v0;
	[tilespmem:s3+$0xFFFFFF10] =	vst v1;
	v1 =	vld [tilespmem:s23+$0xFFFFFEA0]  }
0x1f9: {  	v46 =	vld [tilespmem:s0+$0xFFFFFF20]  }
0x1fa: {  	v9 =	vmul.f32 v9, v14;
	[tilespmem:s3+$0xFFFFFF90] =	vst v5;
	v5 =	vld [tilespmem:s23+$0xFFFFFF20];
	v0 =	vadd.f32 v34, v0  }
0x1fb: {  	v12 =	vmul.f32 v13, v12;
	v53 =	vld [tilespmem:s0+$0xFFFFFFE0]  }
0x1fc: {  	[tilespmem:s3+$0x1A0] =	vst v0;
	v2 =	vadd.f32 v2, v9;
	v9 =	vld [tilespmem:s23+$0x10]  }
0x1fd: {  	v11 =	vadd.f32 v11, v12;
	v0 =	vld [tilespmem:s0+$0x1B0]  }
0x1fe: {  	v7 =	vld [tilespmem:s23+$0x1B0]  }
0x1ff: {  	[tilespmem:s3+$0x80] =	vst v11;
	v3 =	vld [tilespmem:s0+$0x1F0]  }
0x200: {  	v11 =	vld [tilespmem:s0+$0x90]  }
0x201: {  	v4 =	vmul.f32 v4, v35;
	v45 =	vld [tilespmem:s0+$0xD0]  }
0x202: {  	[tilespmem:s3+$0x100] =	vst v2;
	v2 =	vld [tilespmem:s23+$0x90]  }
0x203: {  	v38 =	vld [tilespmem:s0+$0x110];
	v4 =	vadd.f32 v39, v4  }
0x204: {  	v40 =	vld [tilespmem:s23+$0x110]  }
0x205: {  	v10 =	vld [tilespmem:s0+$0x150];
	[tilespmem:s3+$0xFFFFFE10] =	vst v4  }
0x206: {  	v9 =	vmul.f32 v9, v37;
	v4 =	vld [tilespmem:s0+$0xFFFFFE20]  }
0x207: {  	v6 =	vld [tilespmem:s23+$0xFFFFFE20]  }
0x208: {  	v50 =	vld [tilespmem:s0+$0xFFFFFE60];
	v9 =	vadd.f32 v44, v9  }
0x209: {  	v2 =	vmul.f32 v2, v11;
	v11 =	vld [tilespmem:s0+$0xFFFFFFA0]  }
0x20a: {  	[tilespmem:s3+$0x10] =	vst v9;
	v9 =	vld [tilespmem:s23+$0xFFFFFFA0]  }
0x20b: {  	v2 =	vadd.f32 v45, v2;
	v47 =	vld [tilespmem:s0+$0x20]  }
0x20c: {  	v1 =	vmul.f32 v1, v8;
	v13 =	vmul.f32 v40, v38;
	v8 =	vld [tilespmem:s0+$0x60]  }
0x20d: {  	[tilespmem:s3+$0x90] =	vst v2;
	v2 =	vld [tilespmem:s23+$0x20]  }
0x20e: {  	v10 =	vadd.f32 v10, v13;
	v4 =	vmul.f32 v6, v4;
	v6 =	vld [tilespmem:s0+$0xFFFFFF60]  }
0x20f: {  	v48 =	vld [tilespmem:s0+$0xA0]  }
0x210: {  	[tilespmem:s3+$0x110] =	vst v10;
	v10 =	vld [tilespmem:s23+$0xA0]  }
0x211: {  	v54 =	vld [tilespmem:s0+$0xE0]  }
0x212: {  	v49 =	vld [tilespmem:s0+$0x120];
	v4 =	vadd.f32 v50, v4  }
0x213: {  	v51 =	vld [tilespmem:s23+$0x120]  }
0x214: {  	v5 =	vmul.f32 v5, v46;
	v1 =	vadd.f32 v52, v1;
	v55 =	vld [tilespmem:s0+$0x160];
	[tilespmem:s3+$0xFFFFFE20] =	vst v4  }
0x215: {  	v4 =	vld [tilespmem:s0+$0xFFFFFE30]  }
0x216: {  	[tilespmem:s3+$0xFFFFFEA0] =	vst v1;
	v9 =	vmul.f32 v9, v11;
	v5 =	vadd.f32 v6, v5;
	v1 =	vld [tilespmem:s23+$0xFFFFFE30]  }
0x217: {  	v6 =	vld [tilespmem:s0+$0xFFFFFEB0]  }
0x218: {  	v2 =	vmul.f32 v2, v47;
	v9 =	vadd.f32 v53, v9;
	[tilespmem:s3+$0xFFFFFF20] =	vst v5;
	v5 =	vld [tilespmem:s23+$0xFFFFFEB0]  }
0x219: {  	v56 =	vld [tilespmem:s0+$0xFFFFFF30]  }
0x21a: {  	v10 =	vmul.f32 v10, v48;
	v2 =	vadd.f32 v8, v2;
	[tilespmem:s3+$0xFFFFFFA0] =	vst v9;
	v8 =	vld [tilespmem:s23+$0xFFFFFF30]  }
0x21b: {  	v9 =	vld [tilespmem:s0+$0xFFFFFFB0]  }
0x21c: {  	v11 =	vmul.f32 v51, v49;
	v10 =	vadd.f32 v54, v10;
	v57 =	vld [tilespmem:s23+$0xFFFFFFB0];
	[tilespmem:s3+$0x20] =	vst v2  }
0x21d: {  	v58 =	vld [tilespmem:s0+$0x30]  }
0x21e: {  	v2 =	vadd.f32 v55, v11;
	[tilespmem:s3+$0xA0] =	vst v10;
	v59 =	vld [tilespmem:s23+$0x30]  }
0x21f: {  	v60 =	vld [tilespmem:s0+$0xB0]  }
0x220: {  	[tilespmem:s3+$0x120] =	vst v2;
	v61 =	vld [tilespmem:s23+$0xB0]  }
0x221: {  	v62 =	vld [tilespmem:s0+$0x130]  }
0x222: {  	v63 =	vld [tilespmem:s23+$0x130]  }
0x223: {  	v0 =	vmul.f32 v7, v0;
	v11 =	vld [tilespmem:s0+$0xFFFFFE70]  }
0x224: {  	v10 =	vld [tilespmem:s0+$0xFFFFFEF0];
	v2 =	vmul.f32 v1, v4  }
0x225: {  	v0 =	vadd.f32 v3, v0;
	v4 =	vmul.f32 v5, v6;
	v3 =	vmul.f32 v8, v56;
	v8 =	vld [tilespmem:s0+$0xFFFFFF70]  }
0x226: {  	v5 =	vmul.f32 v57, v9;
	v9 =	vld [tilespmem:s0+$0xFFFFFFF0];
	v6 =	vmul.f32 v59, v58  }
0x227: {  	s16 =	simm.s32 $0x0;
	s17 =	simm.s32 $0x800;
	s28 =	simm.s32 $0x10400;
	[tilespmem:s3+$0x1B0] =	vst v0;
	v7 =	vld [tilespmem:s0+$0x70];
	v1 =	vmul.f32 v61, v60;
	v0 =	vmul.f32 v63, v62  }
.LBB2_6:
0x228: {  	v12 =	vld [tilespmem:s17+$0x180];
	v2 =	vadd.f32 v11, v2;
	s23 =	sadd.s32 $0x400, s23  }
0x229: {  	v11 =	vld [tilespmem:s23+$0x180];
	v4 =	vadd.f32 v10, v4  }
0x22a: {  	v10 =	vld [tilespmem:s23+$0xFFFFFE00];
	[tilespmem:s3+$0xFFFFFE30] =	vst v2;
	v2 =	vadd.f32 v8, v3  }
0x22b: {  	v3 =	vld [tilespmem:s17+$0x1C0];
	[tilespmem:s3+$0xFFFFFEB0] =	vst v4;
	v4 =	vadd.f32 v9, v5  }
0x22c: {  	s16 =	sadd.s32 $0x8, s16;
	v5 =	vld [tilespmem:s17+$0xFFFFFE80];
	[tilespmem:s3+$0xFFFFFF30] =	vst v2;
	v2 =	vadd.f32 v7, v6  }
0x22d: {  	p0 =	slt.u32 s16, $0x78;
	v6 =	vld [tilespmem:s23+$0xFFFFFE80];
	[tilespmem:s3+$0xFFFFFFB0] =	vst v4  }
0x22e: {  	v4 =	vld [tilespmem:s17+$0xFFFFFF00];
	v7 =	vmul.f32 v11, v12;
	[tilespmem:s3+$0x30] =	vst v2  }
0x22f: {  	v2 =	vld [tilespmem:s23+$0xFFFFFF00]  }
0x230: {  	v8 =	vld [tilespmem:s17+$0xFFFFFF80];
	v3 =	vadd.f32 v3, v7  }
0x231: {  	s3 =	sadd.s32 $0x400, s3;
	v7 =	vld [tilespmem:s23+$0xFFFFFF80]  }
0x232: {  	v5 =	vmul.f32 v6, v5;
	v6 =	vld [tilespmem:s17+$0x0];
	[tilespmem:s3+$0x180] =	vst v3  }
0x233: {  	v3 =	vld [tilespmem:s17+$0x190]  }
0x234: {  	v2 =	vmul.f32 v2, v4;
	v4 =	vld [tilespmem:s23+$0x190]  }
0x235: {  	v9 =	vld [tilespmem:s23+$0x0]  }
0x236: {  	v7 =	vmul.f32 v7, v8;
	v8 =	vld [tilespmem:s17+$0x1D0]  }
0x237: {  	v11 =	vld [tilespmem:s17+$0x80]  }
0x238: {  	v12 =	vld [tilespmem:s23+$0x80]  }
0x239: {  	v13 =	vld [tilespmem:s17+$0x100];
	v3 =	vmul.f32 v4, v3  }
0x23a: {  	v4 =	vmul.f32 v9, v6;
	v6 =	vld [tilespmem:s23+$0x100]  }
0x23b: {  	v9 =	vld [tilespmem:s17+$0xFFFFFE00];
	v3 =	vadd.f32 v8, v3  }
0x23c: {  	v8 =	vld [tilespmem:s17+$0xFFFFFE40]  }
0x23d: {  	v14 =	vld [tilespmem:s17+$0xFFFFFEC0];
	v11 =	vmul.f32 v12, v11;
	[tilespmem:s3+$0x190] =	vst v3  }
0x23e: {  	v3 =	vld [tilespmem:s17+$0x1A0]  }
0x23f: {  	v6 =	vmul.f32 v6, v13;
	v12 =	vld [tilespmem:s23+$0x1A0]  }
0x240: {  	v9 =	vmul.f32 v10, v9;
	v10 =	vld [tilespmem:s17+$0xFFFFFF40]  }
0x241: {  	v13 =	vld [tilespmem:s17+$0x1E0]  }
0x242: {  	v8 =	vadd.f32 v8, v9;
	v5 =	vadd.f32 v14, v5;
	v9 =	vld [tilespmem:s17+$0xFFFFFFC0]  }
0x243: {  	v14 =	vld [tilespmem:s17+$0x40]  }
0x244: {  	[tilespmem:s3+$0xFFFFFE00] =	vst v8;
	v8 =	vld [tilespmem:s17+$0xC0];
	v3 =	vmul.f32 v12, v3  }
0x245: {  	[tilespmem:s3+$0xFFFFFE80] =	vst v5;
	v2 =	vadd.f32 v10, v2;
	v5 =	vld [tilespmem:s17+$0x140]  }
0x246: {  	v10 =	vld [tilespmem:s17+$0xFFFFFE10];
	v3 =	vadd.f32 v13, v3  }
0x247: {  	v12 =	vld [tilespmem:s23+$0xFFFFFE10];
	[tilespmem:s3+$0xFFFFFF00] =	vst v2;
	v2 =	vadd.f32 v9, v7  }
0x248: {  	v7 =	vld [tilespmem:s17+$0xFFFFFE90];
	v4 =	vadd.f32 v14, v4;
	[tilespmem:s3+$0x1A0] =	vst v3  }
0x249: {  	[tilespmem:s3+$0xFFFFFF80] =	vst v2;
	v2 =	vadd.f32 v8, v11;
	v3 =	vld [tilespmem:s17+$0x1B0]  }
0x24a: {  	[tilespmem:s3+$0x0] =	vst v4;
	v4 =	vadd.f32 v5, v6;
	v5 =	vld [tilespmem:s23+$0x1B0]  }
0x24b: {  	v6 =	vld [tilespmem:s23+$0xFFFFFE90];
	[tilespmem:s3+$0x80] =	vst v2  }
0x24c: {  	v2 =	vmul.f32 v12, v10;
	[tilespmem:s3+$0x100] =	vst v4;
	v4 =	vld [tilespmem:s17+$0x1F0]  }
0x24d: {  	v8 =	vld [tilespmem:s17+$0xFFFFFF10]  }
0x24e: {  	v9 =	vld [tilespmem:s23+$0xFFFFFF10]  }
0x24f: {  	v10 =	vld [tilespmem:s17+$0xFFFFFF90];
	v3 =	vmul.f32 v5, v3  }
0x250: {  	v5 =	vmul.f32 v6, v7;
	v6 =	vld [tilespmem:s23+$0xFFFFFF90]  }
0x251: {  	v7 =	vld [tilespmem:s17+$0x10];
	v3 =	vadd.f32 v4, v3  }
0x252: {  	v4 =	vld [tilespmem:s23+$0x10]  }
0x253: {  	v8 =	vmul.f32 v9, v8;
	v9 =	vld [tilespmem:s17+$0x90];
	[tilespmem:s3+$0x1B0] =	vst v3  }
0x254: {  	v3 =	vld [tilespmem:s23+$0x90]  }
0x255: {  	v6 =	vmul.f32 v6, v10;
	v10 =	vld [tilespmem:s17+$0x110]  }
0x256: {  	v11 =	vld [tilespmem:s23+$0x110]  }
0x257: {  	v12 =	vld [tilespmem:s17+$0xFFFFFE50];
	v4 =	vmul.f32 v4, v7  }
0x258: {  	v7 =	vld [tilespmem:s17+$0xFFFFFED0]  }
0x259: {  	v13 =	vld [tilespmem:s17+$0xFFFFFF50];
	v3 =	vmul.f32 v3, v9  }
0x25a: {  	v9 =	vld [tilespmem:s17+$0xFFFFFFD0]  }
0x25b: {  	v14 =	vld [tilespmem:s17+$0x50];
	v10 =	vmul.f32 v11, v10  }
0x25c: {  	v2 =	vadd.f32 v12, v2;
	v11 =	vld [tilespmem:s17+$0xD0]  }
0x25d: {  	v5 =	vadd.f32 v7, v5;
	v7 =	vld [tilespmem:s17+$0x150]  }
0x25e: {  	[tilespmem:s3+$0xFFFFFE10] =	vst v2;
	v2 =	vadd.f32 v13, v8;
	v8 =	vld [tilespmem:s0+$0xF0]  }
0x25f: {  	v12 =	vld [tilespmem:s17+$0xFFFFFE20];
	[tilespmem:s3+$0xFFFFFE90] =	vst v5;
	v5 =	vadd.f32 v9, v6  }
0x260: {  	v6 =	vld [tilespmem:s23+$0xFFFFFE20];
	[tilespmem:s3+$0xFFFFFF10] =	vst v2;
	v2 =	vadd.f32 v14, v4  }
0x261: {  	v4 =	vld [tilespmem:s17+$0xFFFFFEA0];
	[tilespmem:s3+$0xFFFFFF90] =	vst v5;
	v3 =	vadd.f32 v11, v3  }
0x262: {  	v5 =	vld [tilespmem:s23+$0xFFFFFEA0];
	[tilespmem:s3+$0x10] =	vst v2;
	v2 =	vadd.f32 v7, v10  }
0x263: {  	v7 =	vld [tilespmem:s17+$0xFFFFFF20];
	[tilespmem:s3+$0x90] =	vst v3;
	v1 =	vadd.f32 v8, v1  }
0x264: {  	v3 =	vld [tilespmem:s23+$0xFFFFFF20];
	[tilespmem:s3+$0x110] =	vst v2  }
0x265: {  	v2 =	vmul.f32 v6, v12;
	v6 =	vld [tilespmem:s17+$0xFFFFFFA0];
	[tilespmem:s28+$0xB0] =	vst v1  }
0x266: {  	v1 =	vld [tilespmem:s23+$0xFFFFFFA0]  }
0x267: {  	v4 =	vmul.f32 v5, v4;
	v5 =	vld [tilespmem:s17+$0x20]  }
0x268: {  	v8 =	vld [tilespmem:s23+$0x20]  }
0x269: {  	v3 =	vmul.f32 v3, v7;
	v7 =	vld [tilespmem:s17+$0xA0]  }
0x26a: {  	v9 =	vld [tilespmem:s23+$0xA0]  }
0x26b: {  	v1 =	vmul.f32 v1, v6;
	v6 =	vld [tilespmem:s17+$0x120]  }
0x26c: {  	v10 =	vld [tilespmem:s23+$0x120]  }
0x26d: {  	v11 =	vld [tilespmem:s17+$0xFFFFFE60];
	v5 =	vmul.f32 v8, v5  }
0x26e: {  	v8 =	vld [tilespmem:s17+$0xFFFFFEE0]  }
0x26f: {  	v12 =	vld [tilespmem:s17+$0xFFFFFF60];
	v7 =	vmul.f32 v9, v7  }
0x270: {  	v9 =	vld [tilespmem:s17+$0xFFFFFFE0]  }
0x271: {  	v13 =	vld [tilespmem:s17+$0x60];
	v6 =	vmul.f32 v10, v6  }
0x272: {  	v2 =	vadd.f32 v11, v2;
	v10 =	vld [tilespmem:s17+$0xE0]  }
0x273: {  	v4 =	vadd.f32 v8, v4;
	v8 =	vld [tilespmem:s17+$0x160]  }
0x274: {  	[tilespmem:s3+$0xFFFFFE20] =	vst v2;
	v2 =	vadd.f32 v12, v3;
	v3 =	vld [tilespmem:s0+$0x170];
	s0 =	smov.u32 s17  }
0x275: {  	v11 =	vld [tilespmem:s17+$0xFFFFFE30];
	[tilespmem:s3+$0xFFFFFEA0] =	vst v4;
	v1 =	vadd.f32 v9, v1  }
0x276: {  	v4 =	vld [tilespmem:s23+$0xFFFFFE30];
	[tilespmem:s3+$0xFFFFFF20] =	vst v2;
	v2 =	vadd.f32 v13, v5  }
0x277: {  	v5 =	vld [tilespmem:s17+$0xFFFFFEB0];
	[tilespmem:s3+$0xFFFFFFA0] =	vst v1;
	v1 =	vadd.f32 v10, v7  }
0x278: {  	v7 =	vld [tilespmem:s23+$0xFFFFFEB0];
	[tilespmem:s3+$0x20] =	vst v2;
	v2 =	vadd.f32 v8, v6  }
0x279: {  	v6 =	vld [tilespmem:s17+$0xFFFFFF30];
	[tilespmem:s3+$0xA0] =	vst v1;
	v0 =	vadd.f32 v3, v0  }
0x27a: {  	v1 =	vld [tilespmem:s23+$0xFFFFFF30];
	[tilespmem:s3+$0x120] =	vst v2  }
0x27b: {  	v2 =	vmul.f32 v4, v11;
	v8 =	vld [tilespmem:s17+$0xFFFFFFB0];
	[tilespmem:s28+$0x130] =	vst v0;
	s28 =	smov.u32 s3  }
0x27c: {  	v0 =	vld [tilespmem:s23+$0xFFFFFFB0]  }
0x27d: {  	v4 =	vmul.f32 v7, v5;
	v7 =	vld [tilespmem:s17+$0x30]  }
0x27e: {  	v9 =	vld [tilespmem:s23+$0x30]  }
0x27f: {  	v3 =	vmul.f32 v1, v6;
	v1 =	vld [tilespmem:s17+$0xB0]  }
0x280: {  	v12 =	vld [tilespmem:s23+$0xB0]  }
0x281: {  	v5 =	vmul.f32 v0, v8;
	v0 =	vld [tilespmem:s17+$0x130]  }
0x282: {  	v13 =	vld [tilespmem:s23+$0x130]  }
.Ltmp2:
0x283: {  	v11 =	vld [tilespmem:s17+$0xFFFFFE70];
	v6 =	vmul.f32 v9, v7;
	(pc) =	sbr.rel @p0 .LBB2_6-.Ltmp2, $4  }
0x284: {  	v10 =	vld [tilespmem:s17+$0xFFFFFEF0]  }
0x285: {  	v8 =	vld [tilespmem:s17+$0xFFFFFF70];
	v1 =	vmul.f32 v12, v1  }
0x286: {  	v9 =	vld [tilespmem:s17+$0xFFFFFFF0]  }
0x287: {  	s17 =	sadd.s32 $0x400, s17;
	v7 =	vld [tilespmem:s0+$0x70];
	v0 =	vmul.f32 v13, v0  }
0x288: {  	v2 =	vadd.f32 v11, v2;
	v11 =	vld [tilespmem:s0+$0xF0]  }
0x289: {  	v4 =	vadd.f32 v10, v4;
	v10 =	vld [tilespmem:s0+$0x170]  }
0x28a: {  	[tilespmem:s3+$0xFFFFFE30] =	vst v2;
	v2 =	vadd.f32 v8, v3  }
0x28b: {  	[tilespmem:s3+$0xFFFFFEB0] =	vst v4;
	v3 =	vadd.f32 v9, v5  }
0x28c: {  	[tilespmem:s3+$0xFFFFFF30] =	vst v2;
	v2 =	vadd.f32 v7, v6  }
0x28d: {  	[tilespmem:s3+$0xFFFFFFB0] =	vst v3;
	v1 =	vadd.f32 v11, v1  }
0x28e: {  	[tilespmem:s3+$0x30] =	vst v2;
	v0 =	vadd.f32 v10, v0  }
0x28f: {  	[tilespmem:s28+$0xB0] =	vst v1  }
0x290: {  	[tilespmem:s28+$0x130] =	vst v0  }
0x291: {  	[hbm4b:s11+s2] =	stream.linear.scatter [tilespmem:s22], [sflag:$0x5], $0x4000, $0x38;
	[tilespmem:$0x18200] =	vst v63  }
0x292: {  	_ =	swait.ge [sflag:s24], $0x4000  }
0x293: {  	[sflag:s24] =	ssyncset.done $0x0  }
0x294: {  	[sflag:s24] =	ssyncadd.s32 $0xFFFFC000  }
0x295: {  	_ =	swait.ge [sflag:s25], $0x4000  }
0x296: {  	[sflag:s25] =	ssyncset.done $0x0  }
0x297: {  	[sflag:s25] =	ssyncadd.s32 $0xFFFFC000  }
0x298: {  	_ =	swait.ge [sflag:s30], $0x4000  }
0x299: {  	[sflag:s30] =	ssyncset.done $0x0  }
0x29a: {  	s0 =	simm.s32 $0x4400;
	[sflag:s30] =	ssyncadd.s32 $0xFFFFC000  }
0x29b: {  	s23 =	simm.s32 $0xC400;
	v0 =	vld [tilespmem:s0+$0x180]  }
0x29c: {  	v1 =	vld [tilespmem:s23+$0x180]  }
0x29d: {  	v2 =	vld [tilespmem:s23+$0xFFFFFE00]  }
0x29e: {  	v3 =	vld [tilespmem:s0+$0x1C0]  }
0x29f: {  	v4 =	vld [tilespmem:s0+$0xFFFFFE80]  }
0x2a0: {  	v5 =	vld [tilespmem:s23+$0xFFFFFE80]  }
0x2a1: {  	v6 =	vld [tilespmem:s0+$0xFFFFFF00]  }
0x2a2: {  	v7 =	vld [tilespmem:s0+$0xFFFFFF80]  }
0x2a3: {  	v8 =	vld [tilespmem:s0+$0x0]  }
0x2a4: {  	v10 =	vld [tilespmem:s23+$0x0]  }
0x2a5: {  	v12 =	vld [tilespmem:s0+$0x80]  }
0x2a6: {  	v13 =	vld [tilespmem:s23+$0x80]  }
0x2a7: {  	v14 =	vld [tilespmem:s0+$0x100]  }
0x2a8: {  	v15 =	vld [tilespmem:s0+$0xFFFFFE00]  }
0x2a9: {  	v16 =	vld [tilespmem:s0+$0xFFFFFEC0]  }
0x2aa: {  	v18 =	vld [tilespmem:s0+$0xFFFFFF40];
	v0 =	vmul.f32 v1, v0  }
0x2ab: {  	v19 =	vld [tilespmem:s0+$0xFFFFFFC0]  }
0x2ac: {  	v1 =	vld [tilespmem:s23+$0xFFFFFF00];
	v0 =	vadd.f32 v3, v0  }
0x2ad: {  	s3 =	simm.s32 $0x14400;
	v4 =	vmul.f32 v5, v4;
	v5 =	vld [tilespmem:s0+$0x40]  }
0x2ae: {  	v3 =	vld [tilespmem:s23+$0xFFFFFF80];
	[tilespmem:s3+$0x180] =	vst v0  }
0x2af: {  	v4 =	vadd.f32 v16, v4;
	v0 =	vld [tilespmem:s0+$0x190]  }
0x2b0: {  	v8 =	vmul.f32 v10, v8;
	v9 =	vld [tilespmem:s23+$0x190]  }
0x2b1: {  	[tilespmem:s3+$0xFFFFFE80] =	vst v4;
	v11 =	vld [tilespmem:s0+$0x1D0]  }
0x2b2: {  	v1 =	vmul.f32 v1, v6;
	v6 =	vld [tilespmem:s0+$0xFFFFFE90];
	v5 =	vadd.f32 v5, v8  }
0x2b3: {  	v36 =	vld [tilespmem:s23+$0xFFFFFE90]  }
0x2b4: {  	v41 =	vld [tilespmem:s0+$0xFFFFFED0];
	[tilespmem:s3+$0x0] =	vst v5  }
0x2b5: {  	v1 =	vadd.f32 v18, v1;
	v37 =	vld [tilespmem:s0+$0x10]  }
0x2b6: {  	v3 =	vmul.f32 v3, v7;
	v44 =	vld [tilespmem:s0+$0x50]  }
0x2b7: {  	[tilespmem:s3+$0xFFFFFF00] =	vst v1;
	v0 =	vmul.f32 v9, v0;
	v9 =	vld [tilespmem:s23+$0x100]  }
0x2b8: {  	v1 =	vadd.f32 v19, v3;
	v10 =	vld [tilespmem:s0+$0xFFFFFF10]  }
0x2b9: {  	v42 =	vld [tilespmem:s0+$0xFFFFFF50]  }
0x2ba: {  	[tilespmem:s3+$0xFFFFFF80] =	vst v1;
	v1 =	vld [tilespmem:s23+$0xFFFFFF10]  }
0x2bb: {  	v0 =	vadd.f32 v11, v0;
	v11 =	vld [tilespmem:s0+$0xFFFFFE40]  }
0x2bc: {  	v8 =	vld [tilespmem:s0+$0xFFFFFF90]  }
0x2bd: {  	v6 =	vmul.f32 v36, v6;
	v5 =	vld [tilespmem:s23+$0xFFFFFF90]  }
0x2be: {  	v43 =	vld [tilespmem:s0+$0xFFFFFFD0];
	[tilespmem:s3+$0x190] =	vst v0  }
0x2bf: {  	v6 =	vadd.f32 v41, v6;
	v0 =	vld [tilespmem:s0+$0x1A0]  }
0x2c0: {  	v17 =	vld [tilespmem:s23+$0x1A0]  }
0x2c1: {  	v2 =	vmul.f32 v2, v15;
	[tilespmem:s3+$0xFFFFFE90] =	vst v6;
	v34 =	vld [tilespmem:s0+$0x1E0]  }
0x2c2: {  	v52 =	vld [tilespmem:s0+$0xFFFFFEE0]  }
0x2c3: {  	v2 =	vadd.f32 v11, v2;
	v11 =	vld [tilespmem:s0+$0xC0]  }
0x2c4: {  	v5 =	vmul.f32 v5, v8;
	v8 =	vld [tilespmem:s0+$0xFFFFFEA0]  }
0x2c5: {  	v1 =	vmul.f32 v1, v10;
	[tilespmem:s3+$0xFFFFFE00] =	vst v2;
	v2 =	vld [tilespmem:s0+$0x140]  }
0x2c6: {  	v35 =	vld [tilespmem:s0+$0xFFFFFE10]  }
0x2c7: {  	v1 =	vadd.f32 v42, v1;
	v4 =	vld [tilespmem:s23+$0xFFFFFE10]  }
0x2c8: {  	v39 =	vld [tilespmem:s0+$0xFFFFFE50]  }
0x2c9: {  	v5 =	vadd.f32 v43, v5;
	v0 =	vmul.f32 v17, v0;
	[tilespmem:s3+$0xFFFFFF10] =	vst v1;
	v1 =	vld [tilespmem:s23+$0xFFFFFEA0]  }
0x2ca: {  	v46 =	vld [tilespmem:s0+$0xFFFFFF20]  }
0x2cb: {  	v9 =	vmul.f32 v9, v14;
	[tilespmem:s3+$0xFFFFFF90] =	vst v5;
	v5 =	vld [tilespmem:s23+$0xFFFFFF20];
	v0 =	vadd.f32 v34, v0  }
0x2cc: {  	v12 =	vmul.f32 v13, v12;
	v53 =	vld [tilespmem:s0+$0xFFFFFFE0]  }
0x2cd: {  	[tilespmem:s3+$0x1A0] =	vst v0;
	v2 =	vadd.f32 v2, v9;
	v9 =	vld [tilespmem:s23+$0x10]  }
0x2ce: {  	v11 =	vadd.f32 v11, v12;
	v0 =	vld [tilespmem:s0+$0x1B0]  }
0x2cf: {  	v7 =	vld [tilespmem:s23+$0x1B0]  }
0x2d0: {  	[tilespmem:s3+$0x80] =	vst v11;
	v3 =	vld [tilespmem:s0+$0x1F0]  }
0x2d1: {  	v11 =	vld [tilespmem:s0+$0x90]  }
0x2d2: {  	v4 =	vmul.f32 v4, v35;
	v45 =	vld [tilespmem:s0+$0xD0]  }
0x2d3: {  	[tilespmem:s3+$0x100] =	vst v2;
	v2 =	vld [tilespmem:s23+$0x90]  }
0x2d4: {  	v38 =	vld [tilespmem:s0+$0x110];
	v4 =	vadd.f32 v39, v4  }
0x2d5: {  	v40 =	vld [tilespmem:s23+$0x110]  }
0x2d6: {  	v10 =	vld [tilespmem:s0+$0x150];
	[tilespmem:s3+$0xFFFFFE10] =	vst v4  }
0x2d7: {  	v9 =	vmul.f32 v9, v37;
	v4 =	vld [tilespmem:s0+$0xFFFFFE20]  }
0x2d8: {  	v6 =	vld [tilespmem:s23+$0xFFFFFE20]  }
0x2d9: {  	v50 =	vld [tilespmem:s0+$0xFFFFFE60];
	v9 =	vadd.f32 v44, v9  }
0x2da: {  	v2 =	vmul.f32 v2, v11;
	v11 =	vld [tilespmem:s0+$0xFFFFFFA0]  }
0x2db: {  	[tilespmem:s3+$0x10] =	vst v9;
	v9 =	vld [tilespmem:s23+$0xFFFFFFA0]  }
0x2dc: {  	v2 =	vadd.f32 v45, v2;
	v47 =	vld [tilespmem:s0+$0x20]  }
0x2dd: {  	v1 =	vmul.f32 v1, v8;
	v13 =	vmul.f32 v40, v38;
	v8 =	vld [tilespmem:s0+$0x60]  }
0x2de: {  	[tilespmem:s3+$0x90] =	vst v2;
	v2 =	vld [tilespmem:s23+$0x20]  }
0x2df: {  	v10 =	vadd.f32 v10, v13;
	v4 =	vmul.f32 v6, v4;
	v6 =	vld [tilespmem:s0+$0xFFFFFF60]  }
0x2e0: {  	v48 =	vld [tilespmem:s0+$0xA0]  }
0x2e1: {  	[tilespmem:s3+$0x110] =	vst v10;
	v10 =	vld [tilespmem:s23+$0xA0]  }
0x2e2: {  	v54 =	vld [tilespmem:s0+$0xE0]  }
0x2e3: {  	v49 =	vld [tilespmem:s0+$0x120];
	v4 =	vadd.f32 v50, v4  }
0x2e4: {  	v51 =	vld [tilespmem:s23+$0x120]  }
0x2e5: {  	v5 =	vmul.f32 v5, v46;
	v1 =	vadd.f32 v52, v1;
	v55 =	vld [tilespmem:s0+$0x160];
	[tilespmem:s3+$0xFFFFFE20] =	vst v4  }
0x2e6: {  	v4 =	vld [tilespmem:s0+$0xFFFFFE30]  }
0x2e7: {  	[tilespmem:s3+$0xFFFFFEA0] =	vst v1;
	v9 =	vmul.f32 v9, v11;
	v5 =	vadd.f32 v6, v5;
	v1 =	vld [tilespmem:s23+$0xFFFFFE30]  }
0x2e8: {  	v6 =	vld [tilespmem:s0+$0xFFFFFEB0]  }
0x2e9: {  	v2 =	vmul.f32 v2, v47;
	v9 =	vadd.f32 v53, v9;
	[tilespmem:s3+$0xFFFFFF20] =	vst v5;
	v5 =	vld [tilespmem:s23+$0xFFFFFEB0]  }
0x2ea: {  	v56 =	vld [tilespmem:s0+$0xFFFFFF30]  }
0x2eb: {  	v10 =	vmul.f32 v10, v48;
	v2 =	vadd.f32 v8, v2;
	[tilespmem:s3+$0xFFFFFFA0] =	vst v9;
	v8 =	vld [tilespmem:s23+$0xFFFFFF30]  }
0x2ec: {  	v9 =	vld [tilespmem:s0+$0xFFFFFFB0]  }
0x2ed: {  	v11 =	vmul.f32 v51, v49;
	v10 =	vadd.f32 v54, v10;
	v57 =	vld [tilespmem:s23+$0xFFFFFFB0];
	[tilespmem:s3+$0x20] =	vst v2  }
0x2ee: {  	v58 =	vld [tilespmem:s0+$0x30]  }
0x2ef: {  	v2 =	vadd.f32 v55, v11;
	[tilespmem:s3+$0xA0] =	vst v10;
	v59 =	vld [tilespmem:s23+$0x30]  }
0x2f0: {  	v60 =	vld [tilespmem:s0+$0xB0]  }
0x2f1: {  	[tilespmem:s3+$0x120] =	vst v2;
	v61 =	vld [tilespmem:s23+$0xB0]  }
0x2f2: {  	v62 =	vld [tilespmem:s0+$0x130]  }
0x2f3: {  	v63 =	vld [tilespmem:s23+$0x130]  }
0x2f4: {  	v0 =	vmul.f32 v7, v0;
	v11 =	vld [tilespmem:s0+$0xFFFFFE70]  }
0x2f5: {  	v10 =	vld [tilespmem:s0+$0xFFFFFEF0];
	v2 =	vmul.f32 v1, v4  }
0x2f6: {  	v0 =	vadd.f32 v3, v0;
	v4 =	vmul.f32 v5, v6;
	v3 =	vmul.f32 v8, v56;
	v8 =	vld [tilespmem:s0+$0xFFFFFF70]  }
0x2f7: {  	v5 =	vmul.f32 v57, v9;
	v9 =	vld [tilespmem:s0+$0xFFFFFFF0];
	v6 =	vmul.f32 v59, v58  }
0x2f8: {  	s16 =	simm.s32 $0x0;
	s17 =	simm.s32 $0x4800;
	s28 =	simm.s32 $0x14400;
	[tilespmem:s3+$0x1B0] =	vst v0;
	v7 =	vld [tilespmem:s0+$0x70];
	v1 =	vmul.f32 v61, v60;
	v0 =	vmul.f32 v63, v62  }
.LBB2_8:
0x2f9: {  	v12 =	vld [tilespmem:s17+$0x180];
	v2 =	vadd.f32 v11, v2;
	s23 =	sadd.s32 $0x400, s23  }
0x2fa: {  	v11 =	vld [tilespmem:s23+$0x180];
	v4 =	vadd.f32 v10, v4  }
0x2fb: {  	v10 =	vld [tilespmem:s23+$0xFFFFFE00];
	[tilespmem:s3+$0xFFFFFE30] =	vst v2;
	v2 =	vadd.f32 v8, v3  }
0x2fc: {  	v3 =	vld [tilespmem:s17+$0x1C0];
	[tilespmem:s3+$0xFFFFFEB0] =	vst v4;
	v4 =	vadd.f32 v9, v5  }
0x2fd: {  	s16 =	sadd.s32 $0x8, s16;
	v5 =	vld [tilespmem:s17+$0xFFFFFE80];
	[tilespmem:s3+$0xFFFFFF30] =	vst v2;
	v2 =	vadd.f32 v7, v6  }
0x2fe: {  	p0 =	slt.u32 s16, $0x78;
	v6 =	vld [tilespmem:s23+$0xFFFFFE80];
	[tilespmem:s3+$0xFFFFFFB0] =	vst v4  }
0x2ff: {  	v4 =	vld [tilespmem:s17+$0xFFFFFF00];
	v7 =	vmul.f32 v11, v12;
	[tilespmem:s3+$0x30] =	vst v2  }
0x300: {  	v2 =	vld [tilespmem:s23+$0xFFFFFF00]  }
0x301: {  	v8 =	vld [tilespmem:s17+$0xFFFFFF80];
	v3 =	vadd.f32 v3, v7  }
0x302: {  	s3 =	sadd.s32 $0x400, s3;
	v7 =	vld [tilespmem:s23+$0xFFFFFF80]  }
0x303: {  	v5 =	vmul.f32 v6, v5;
	v6 =	vld [tilespmem:s17+$0x0];
	[tilespmem:s3+$0x180] =	vst v3  }
0x304: {  	v3 =	vld [tilespmem:s17+$0x190]  }
0x305: {  	v2 =	vmul.f32 v2, v4;
	v4 =	vld [tilespmem:s23+$0x190]  }
0x306: {  	v9 =	vld [tilespmem:s23+$0x0]  }
0x307: {  	v7 =	vmul.f32 v7, v8;
	v8 =	vld [tilespmem:s17+$0x1D0]  }
0x308: {  	v11 =	vld [tilespmem:s17+$0x80]  }
0x309: {  	v12 =	vld [tilespmem:s23+$0x80]  }
0x30a: {  	v13 =	vld [tilespmem:s17+$0x100];
	v3 =	vmul.f32 v4, v3  }
0x30b: {  	v4 =	vmul.f32 v9, v6;
	v6 =	vld [tilespmem:s23+$0x100]  }
0x30c: {  	v9 =	vld [tilespmem:s17+$0xFFFFFE00];
	v3 =	vadd.f32 v8, v3  }
0x30d: {  	v8 =	vld [tilespmem:s17+$0xFFFFFE40]  }
0x30e: {  	v14 =	vld [tilespmem:s17+$0xFFFFFEC0];
	v11 =	vmul.f32 v12, v11;
	[tilespmem:s3+$0x190] =	vst v3  }
0x30f: {  	v3 =	vld [tilespmem:s17+$0x1A0]  }
0x310: {  	v6 =	vmul.f32 v6, v13;
	v12 =	vld [tilespmem:s23+$0x1A0]  }
0x311: {  	v9 =	vmul.f32 v10, v9;
	v10 =	vld [tilespmem:s17+$0xFFFFFF40]  }
0x312: {  	v13 =	vld [tilespmem:s17+$0x1E0]  }
0x313: {  	v8 =	vadd.f32 v8, v9;
	v5 =	vadd.f32 v14, v5;
	v9 =	vld [tilespmem:s17+$0xFFFFFFC0]  }
0x314: {  	v14 =	vld [tilespmem:s17+$0x40]  }
0x315: {  	[tilespmem:s3+$0xFFFFFE00] =	vst v8;
	v8 =	vld [tilespmem:s17+$0xC0];
	v3 =	vmul.f32 v12, v3  }
0x316: {  	[tilespmem:s3+$0xFFFFFE80] =	vst v5;
	v2 =	vadd.f32 v10, v2;
	v5 =	vld [tilespmem:s17+$0x140]  }
0x317: {  	v10 =	vld [tilespmem:s17+$0xFFFFFE10];
	v3 =	vadd.f32 v13, v3  }
0x318: {  	v12 =	vld [tilespmem:s23+$0xFFFFFE10];
	[tilespmem:s3+$0xFFFFFF00] =	vst v2;
	v2 =	vadd.f32 v9, v7  }
0x319: {  	v7 =	vld [tilespmem:s17+$0xFFFFFE90];
	v4 =	vadd.f32 v14, v4;
	[tilespmem:s3+$0x1A0] =	vst v3  }
0x31a: {  	[tilespmem:s3+$0xFFFFFF80] =	vst v2;
	v2 =	vadd.f32 v8, v11;
	v3 =	vld [tilespmem:s17+$0x1B0]  }
0x31b: {  	[tilespmem:s3+$0x0] =	vst v4;
	v4 =	vadd.f32 v5, v6;
	v5 =	vld [tilespmem:s23+$0x1B0]  }
0x31c: {  	v6 =	vld [tilespmem:s23+$0xFFFFFE90];
	[tilespmem:s3+$0x80] =	vst v2  }
0x31d: {  	v2 =	vmul.f32 v12, v10;
	[tilespmem:s3+$0x100] =	vst v4;
	v4 =	vld [tilespmem:s17+$0x1F0]  }
0x31e: {  	v8 =	vld [tilespmem:s17+$0xFFFFFF10]  }
0x31f: {  	v9 =	vld [tilespmem:s23+$0xFFFFFF10]  }
0x320: {  	v10 =	vld [tilespmem:s17+$0xFFFFFF90];
	v3 =	vmul.f32 v5, v3  }
0x321: {  	v5 =	vmul.f32 v6, v7;
	v6 =	vld [tilespmem:s23+$0xFFFFFF90]  }
0x322: {  	v7 =	vld [tilespmem:s17+$0x10];
	v3 =	vadd.f32 v4, v3  }
0x323: {  	v4 =	vld [tilespmem:s23+$0x10]  }
0x324: {  	v8 =	vmul.f32 v9, v8;
	v9 =	vld [tilespmem:s17+$0x90];
	[tilespmem:s3+$0x1B0] =	vst v3  }
0x325: {  	v3 =	vld [tilespmem:s23+$0x90]  }
0x326: {  	v6 =	vmul.f32 v6, v10;
	v10 =	vld [tilespmem:s17+$0x110]  }
0x327: {  	v11 =	vld [tilespmem:s23+$0x110]  }
0x328: {  	v12 =	vld [tilespmem:s17+$0xFFFFFE50];
	v4 =	vmul.f32 v4, v7  }
0x329: {  	v7 =	vld [tilespmem:s17+$0xFFFFFED0]  }
0x32a: {  	v13 =	vld [tilespmem:s17+$0xFFFFFF50];
	v3 =	vmul.f32 v3, v9  }
0x32b: {  	v9 =	vld [tilespmem:s17+$0xFFFFFFD0]  }
0x32c: {  	v14 =	vld [tilespmem:s17+$0x50];
	v10 =	vmul.f32 v11, v10  }
0x32d: {  	v2 =	vadd.f32 v12, v2;
	v11 =	vld [tilespmem:s17+$0xD0]  }
0x32e: {  	v5 =	vadd.f32 v7, v5;
	v7 =	vld [tilespmem:s17+$0x150]  }
0x32f: {  	[tilespmem:s3+$0xFFFFFE10] =	vst v2;
	v2 =	vadd.f32 v13, v8;
	v8 =	vld [tilespmem:s0+$0xF0]  }
0x330: {  	v12 =	vld [tilespmem:s17+$0xFFFFFE20];
	[tilespmem:s3+$0xFFFFFE90] =	vst v5;
	v5 =	vadd.f32 v9, v6  }
0x331: {  	v6 =	vld [tilespmem:s23+$0xFFFFFE20];
	[tilespmem:s3+$0xFFFFFF10] =	vst v2;
	v2 =	vadd.f32 v14, v4  }
0x332: {  	v4 =	vld [tilespmem:s17+$0xFFFFFEA0];
	[tilespmem:s3+$0xFFFFFF90] =	vst v5;
	v3 =	vadd.f32 v11, v3  }
0x333: {  	v5 =	vld [tilespmem:s23+$0xFFFFFEA0];
	[tilespmem:s3+$0x10] =	vst v2;
	v2 =	vadd.f32 v7, v10  }
0x334: {  	v7 =	vld [tilespmem:s17+$0xFFFFFF20];
	[tilespmem:s3+$0x90] =	vst v3;
	v1 =	vadd.f32 v8, v1  }
0x335: {  	v3 =	vld [tilespmem:s23+$0xFFFFFF20];
	[tilespmem:s3+$0x110] =	vst v2  }
0x336: {  	v2 =	vmul.f32 v6, v12;
	v6 =	vld [tilespmem:s17+$0xFFFFFFA0];
	[tilespmem:s28+$0xB0] =	vst v1  }
0x337: {  	v1 =	vld [tilespmem:s23+$0xFFFFFFA0]  }
0x338: {  	v4 =	vmul.f32 v5, v4;
	v5 =	vld [tilespmem:s17+$0x20]  }
0x339: {  	v8 =	vld [tilespmem:s23+$0x20]  }
0x33a: {  	v3 =	vmul.f32 v3, v7;
	v7 =	vld [tilespmem:s17+$0xA0]  }
0x33b: {  	v9 =	vld [tilespmem:s23+$0xA0]  }
0x33c: {  	v1 =	vmul.f32 v1, v6;
	v6 =	vld [tilespmem:s17+$0x120]  }
0x33d: {  	v10 =	vld [tilespmem:s23+$0x120]  }
0x33e: {  	v11 =	vld [tilespmem:s17+$0xFFFFFE60];
	v5 =	vmul.f32 v8, v5  }
0x33f: {  	v8 =	vld [tilespmem:s17+$0xFFFFFEE0]  }
0x340: {  	v12 =	vld [tilespmem:s17+$0xFFFFFF60];
	v7 =	vmul.f32 v9, v7  }
0x341: {  	v9 =	vld [tilespmem:s17+$0xFFFFFFE0]  }
0x342: {  	v13 =	vld [tilespmem:s17+$0x60];
	v6 =	vmul.f32 v10, v6  }
0x343: {  	v2 =	vadd.f32 v11, v2;
	v10 =	vld [tilespmem:s17+$0xE0]  }
0x344: {  	v4 =	vadd.f32 v8, v4;
	v8 =	vld [tilespmem:s17+$0x160]  }
0x345: {  	[tilespmem:s3+$0xFFFFFE20] =	vst v2;
	v2 =	vadd.f32 v12, v3;
	v3 =	vld [tilespmem:s0+$0x170];
	s0 =	smov.u32 s17  }
0x346: {  	v11 =	vld [tilespmem:s17+$0xFFFFFE30];
	[tilespmem:s3+$0xFFFFFEA0] =	vst v4;
	v1 =	vadd.f32 v9, v1  }
0x347: {  	v4 =	vld [tilespmem:s23+$0xFFFFFE30];
	[tilespmem:s3+$0xFFFFFF20] =	vst v2;
	v2 =	vadd.f32 v13, v5  }
0x348: {  	v5 =	vld [tilespmem:s17+$0xFFFFFEB0];
	[tilespmem:s3+$0xFFFFFFA0] =	vst v1;
	v1 =	vadd.f32 v10, v7  }
0x349: {  	v7 =	vld [tilespmem:s23+$0xFFFFFEB0];
	[tilespmem:s3+$0x20] =	vst v2;
	v2 =	vadd.f32 v8, v6  }
0x34a: {  	v6 =	vld [tilespmem:s17+$0xFFFFFF30];
	[tilespmem:s3+$0xA0] =	vst v1;
	v0 =	vadd.f32 v3, v0  }
0x34b: {  	v1 =	vld [tilespmem:s23+$0xFFFFFF30];
	[tilespmem:s3+$0x120] =	vst v2  }
0x34c: {  	v2 =	vmul.f32 v4, v11;
	v8 =	vld [tilespmem:s17+$0xFFFFFFB0];
	[tilespmem:s28+$0x130] =	vst v0;
	s28 =	smov.u32 s3  }
0x34d: {  	v0 =	vld [tilespmem:s23+$0xFFFFFFB0]  }
0x34e: {  	v4 =	vmul.f32 v7, v5;
	v7 =	vld [tilespmem:s17+$0x30]  }
0x34f: {  	v9 =	vld [tilespmem:s23+$0x30]  }
0x350: {  	v3 =	vmul.f32 v1, v6;
	v1 =	vld [tilespmem:s17+$0xB0]  }
0x351: {  	v12 =	vld [tilespmem:s23+$0xB0]  }
0x352: {  	v5 =	vmul.f32 v0, v8;
	v0 =	vld [tilespmem:s17+$0x130]  }
0x353: {  	v13 =	vld [tilespmem:s23+$0x130]  }
.Ltmp3:
0x354: {  	v11 =	vld [tilespmem:s17+$0xFFFFFE70];
	v6 =	vmul.f32 v9, v7;
	(pc) =	sbr.rel @p0 .LBB2_8-.Ltmp3, $4  }
0x355: {  	v10 =	vld [tilespmem:s17+$0xFFFFFEF0]  }
0x356: {  	v8 =	vld [tilespmem:s17+$0xFFFFFF70];
	v1 =	vmul.f32 v12, v1  }
0x357: {  	v9 =	vld [tilespmem:s17+$0xFFFFFFF0]  }
0x358: {  	s17 =	sadd.s32 $0x400, s17;
	v7 =	vld [tilespmem:s0+$0x70];
	v0 =	vmul.f32 v13, v0  }
0x359: {  	v2 =	vadd.f32 v11, v2;
	v59 =	vld [tilespmem:s0+$0xF0]  }
0x35a: {  	v60 =	vld [tilespmem:s0+$0x170];
	v4 =	vadd.f32 v10, v4  }
0x35b: {  	[tilespmem:s3+$0xFFFFFE30] =	vst v2;
	v61 =	vadd.f32 v8, v3  }
0x35c: {  	[tilespmem:s3+$0xFFFFFEB0] =	vst v4;
	v62 =	vadd.f32 v9, v5  }
0x35d: {  	[tilespmem:s3+$0xFFFFFF30] =	vst v61;
	v63 =	vadd.f32 v7, v6  }
0x35e: {  	[tilespmem:s3+$0xFFFFFFB0] =	vst v62;
	v1 =	vadd.f32 v59, v1  }
0x35f: {  	v0 =	vadd.f32 v60, v0;
	[tilespmem:s3+$0x30] =	vst v63  }
0x360: {  	[tilespmem:s28+$0xB0] =	vst v1  }
0x361: {  	s31 =	sadd.s32 $0x1, s31;
	[tilespmem:s28+$0x130] =	vst v0  }
0x362: {  	[hbm4b:s12+s2] =	stream.linear.scatter [tilespmem:s26], [sflag:$0x6], $0x4000, $0x38;
	[tilespmem:$0x18200] =	vst v63  }
0x363: {  	p0 =	sne.s32 s31, s13;
	_ =	swait.ge [sflag:s29], $0x4000  }
.Ltmp4:
0x364: {  	[sflag:s29] =	ssyncset.done $0x0;
	(pc) =	sbr.rel @p0 .LBB2_1-.Ltmp4, $4  }
0x365: {  	[sflag:s29] =	ssyncadd.s32 $0xFFFFC000  }
0x366: {  	_ =	swait.ge [sflag:s30], $0x4000  }
0x367: {  	[sflag:s30] =	ssyncset.done $0x0  }
0x368: {  	[sflag:s30] =	ssyncadd.s32 $0xFFFFC000  }
0x369: {  	_ =	sfence.sel $0x180000  }
0x36a: {  	[bflag:$0x0] =	sbarrier.arrive $0xFFFF  }
0x36b: {  	_ =	strace $0x90000047  }
0x36c: {  	s0 =	stileid.u32;
	[bflag:$0x2] =	sbarrier.arrive $0xFFFF  }
0x36d: {  	p0 =	sne.s32 s0, $0x0;
	s0 =	rddreg [dreg:$0x3]  }
0x36e: {  	s0 =	sadd.s32 @!p0 $0x100000, s0  }
0x36f: {  	[sflag:s0] =	ssyncadd.tile.s32 @!p0 $0x1;
	_ =	shalt  }
.Lfunc_end2:
_tile_overlayer_lowered:
.L_overlay_start_2:
0x370: {  	(tag) =	ssettag $0x2  }
0x371: {  	s0 =	rddreg [dreg:$0x0];
	s2 =	stileid.u32  }
0x372: {  	s1 =	rddreg [dreg:$0x1];
	p0 =	sne.s32 s2, $0x0  }
0x373: {  	s3 =	rddreg [dreg:$0x2];
	[bflag:$0x3] =	sbarrier.arrive $0xFFFF;
	s2 =	simm.s32 @!p0 $0x1C07  }
0x374: {  	[timem:s3], [sflag:s2] =	dma.local @!p0 [hbm:s0], s1  }
0x375: {  	s0 =	simm.s32 @!p0 $0x7  }
0x376: {  	_ =	swait.ge @!p0 [sflag:s0], s1  }
0x377: {  	s1 =	ssub.s32 @!p0 $0x0, s1;
	[sflag:s0] =	ssyncset.done @!p0 $0x0  }
0x378: {  	[sflag:s0] =	ssyncadd.s32 @!p0 s1  }
0x379: {  	[bflag:$0x3] =	sbarrier.arrive $0xFFFF  }
0x37a: {  	_ =	shalt  }

</sc_bundles>
